<compile_context>
chip_gen: v7x
topology: tpu7x:2x2x1
jax: 0.10.2.dev20260603
libtpu: 0.0.44.dev20260713+nightly
codegen_flags: <defaults>
</compile_context>

<pallas_src>
import functools

import jax
import jax.numpy as jnp
from jax import lax
from jax.experimental import pallas as pl
from jax.experimental.pallas import tpu as pltpu
from jax.experimental.pallas import tpu_sc as plsc

B, C, V = 4096, 200, 128
NT, NE = 128, 64
NC, NS, LANES = 2, 16, 16
NW = NC * NS
ROWS = B * C
RPW = ROWS // NW
CHUNK = 128
NCHUNK = RPW // CHUNK
NBUF = 4
GROUPS = NCHUNK // NBUF

CB = 8


def _build_body(tm_ref, mm_ref, tab_ref, cm_ref, out_ref):
    i = pl.program_id(0)
    tm = tm_ref[...]
    mm = mm_ref[...]
    onehot = (tm[:, None] == lax.broadcasted_iota(jnp.int32, (NT, NE), 1))
    fused = lax.dot(onehot.astype(jnp.float32), tab_ref[...],
                    precision=lax.Precision.HIGHEST,
                    preferred_element_type=jnp.float32)
    fused = fused * mm[:, None]
    cpos = (lax.broadcasted_iota(jnp.int32, (NT, CB, V), 1) + i * CB).astype(jnp.float32)
    masked = cm_ref[...][None, None, :] != 0
    out_ref[...] = jnp.where(masked, cpos, fused[:, None, :])


def _build_expanded(token_map, mult_map, table, channel_mask):
    return pl.pallas_call(
        _build_body,
        grid=(C // CB,),
        in_specs=[
            pl.BlockSpec((NT,), lambda i: (0,)),
            pl.BlockSpec((NT,), lambda i: (0,)),
            pl.BlockSpec((NE, V), lambda i: (0, 0)),
            pl.BlockSpec((V,), lambda i: (0,)),
        ],
        out_specs=pl.BlockSpec((NT, CB, V), lambda i: (0, i, 0)),
        out_shape=jax.ShapeDtypeStruct((NT, C, V), jnp.float32),
    )(token_map, mult_map, table, channel_mask.astype(jnp.int32))


def _sc_body(exp_hbm, inp_hbm, out_hbm, idx2,
             b0, b1, b2, b3, g0, g1, g2, g3, s0, s1, s2, s3):
    bufs = (b0, b1, b2, b3)
    gsems = (g0, g1, g2, g3)
    ssems = (s0, s1, s2, s3)
    wid = lax.axis_index("s") * NC + lax.axis_index("c")

    pltpu.sync_copy(inp_hbm.at[wid], idx2)

    iota16 = lax.broadcasted_iota(jnp.int32, (LANES,), 0)

    def prep(g):
        for j in range(CHUNK // LANES):
            raw = idx2[g, pl.ds(j * LANES, LANES)]
            pos = lax.rem(g * CHUNK + j * LANES + iota16, C)
            idx2[g, pl.ds(j * LANES, LANES)] = raw * C + pos

    def fire_gather(g, b):
        prep(g)
        pltpu.async_copy(exp_hbm.at[idx2.at[g]], bufs[b], gsems[b])

    def wait_gather(g, b):
        pltpu.make_async_copy(exp_hbm.at[idx2.at[g]], bufs[b], gsems[b]).wait()

    def fire_scatter(g, b):
        pltpu.async_copy(bufs[b], out_hbm.at[wid, g], ssems[b])

    def wait_scatter(g, b):
        pltpu.make_async_copy(bufs[b], out_hbm.at[wid, g], ssems[b]).wait()

    for b in range(NBUF):
        fire_gather(b, b)

    def group(p, carry):
        for b in range(NBUF):
            g = p * NBUF + b
            wait_gather(g, b)
            fire_scatter(g, b)
        for b in range(NBUF):
            g = p * NBUF + b
            wait_scatter(g, b)
            fire_gather(g + NBUF, b)
        return carry

    lax.fori_loop(0, GROUPS - 1, group, 0)

    last = (GROUPS - 1) * NBUF
    for b in range(NBUF):
        wait_gather(last + b, b)
        fire_scatter(last + b, b)
    for b in range(NBUF):
        wait_scatter(last + b, b)


@functools.partial(jax.jit, static_argnames=())
def kernel(input_BC, token_map, mult_map, table, channel_mask):
    expanded = _build_expanded(token_map, mult_map, table, channel_mask)
    exp2d = expanded.reshape(NT * C, V)
    inp3d = input_BC.reshape(NW, NCHUNK, CHUNK)

    gather = pl.kernel(
        _sc_body,
        out_type=jax.ShapeDtypeStruct((NW, NCHUNK, CHUNK, V), jnp.float32),
        mesh=plsc.VectorSubcoreMesh(core_axis_name="c", subcore_axis_name="s"),
        scratch_types=[
            pltpu.VMEM((NCHUNK, CHUNK), jnp.int32),
            pltpu.VMEM((CHUNK, V), jnp.float32),
            pltpu.VMEM((CHUNK, V), jnp.float32),
            pltpu.VMEM((CHUNK, V), jnp.float32),
            pltpu.VMEM((CHUNK, V), jnp.float32),
            pltpu.SemaphoreType.DMA,
            pltpu.SemaphoreType.DMA,
            pltpu.SemaphoreType.DMA,
            pltpu.SemaphoreType.DMA,
            pltpu.SemaphoreType.DMA,
            pltpu.SemaphoreType.DMA,
            pltpu.SemaphoreType.DMA,
            pltpu.SemaphoreType.DMA,
        ],
    )
    out4 = gather(exp2d, inp3d)
    return out4.reshape(B, C, V)

# --- scband reference (transcript-rebuilt; emitter-appended) ---
"""Pipeline reference for scband-value-map-embedding-79937931313715 (READ-ONLY COPY).

The authoritative reference and input builder live on the scoring server;
editing this copy changes nothing except your own understanding.
"""

import jax, jax.numpy as jnp
import numpy as np


def setup_inputs(seed: int = 0) -> dict:
    key = jax.random.key(seed)
    k1, k2 = jax.random.split(key)
    B, C = 4096, 200
    num_tokens, num_embeddings, embedding_dim = 128, 64, 128
    # indices into the value map
    input_BC = jax.random.randint(k1, (B, C), 0, num_tokens, dtype=jnp.int32)
    # value_mult[i] = (i // 2, 0.5 if i % 2 == 0 else 1.0)
    token_map = (jnp.arange(num_tokens) // 2).astype(jnp.int32)
    mult_map = jnp.where(jnp.arange(num_tokens) % 2 == 0, 0.5, 1.0).astype(jnp.float32)
    # trainable embedding table (nn.Embedding init ~ N(0,1))
    table = jax.random.normal(k2, (num_embeddings, embedding_dim), dtype=jnp.float32)
    # channel mask: only last channel True (splice_ctx_pos)
    channel_mask = jnp.zeros((embedding_dim,), dtype=bool).at[-1].set(True)
    return {
        "input_BC": input_BC,
        "token_map": token_map,
        "mult_map": mult_map,
        "table": table,
        "channel_mask": channel_mask,
    }


def reference(input_BC, token_map, mult_map, table, channel_mask):
    # vmap over batch is expressed as batched gathers (identical math)
    inds_BC = jnp.take(token_map, input_BC, axis=0)          # [B, C]
    mult_BC = jnp.take(mult_map, input_BC, axis=0)           # [B, C]
    embed_BCV = jnp.take(table, inds_BC, axis=0)             # [B, C, V]
    out = embed_BCV * mult_BC[..., None]
    # splice_ctx_pos: replace last channel with within-row context position
    C = input_BC.shape[1]
    pos_C = jnp.arange(C, dtype=out.dtype)
    out = jnp.where(channel_mask[None, None, :], pos_C[None, :, None], out)
    return out

if __name__ == "__main__":
    import jax
    _d = setup_inputs()
    print(jax.jit(kernel)(*tuple(_d.values())))

</pallas_src>

<mosaic_0001>
#map = affine_map<(d0, d1) -> (0, 0)>
#map1 = affine_map<(d0, d1) -> (0, 0, 0)>
#map2 = affine_map<(d0, d1) -> (0, 0, 0, 0)>
module attributes {stable_mosaic.version = 14 : i64} {
  func.func @_sc_body(%arg0: i32, %arg1: i32, %arg2: memref<25600x128xf32, #tpu.memory_space<hbm>>, %arg3: memref<32x200x128xi32, #tpu.memory_space<hbm>>, %arg4: memref<32x200x128x128xf32, #tpu.memory_space<hbm>>, %arg5: memref<200x128xi32, #tpu.memory_space<vmem>>, %arg6: memref<128x128xf32, #tpu.memory_space<vmem>>, %arg7: memref<128x128xf32, #tpu.memory_space<vmem>>, %arg8: memref<128x128xf32, #tpu.memory_space<vmem>>, %arg9: memref<128x128xf32, #tpu.memory_space<vmem>>, %arg10: memref<!tpu.dma_semaphore, #tpu.memory_space<semaphore_mem>>, %arg11: memref<!tpu.dma_semaphore, #tpu.memory_space<semaphore_mem>>, %arg12: memref<!tpu.dma_semaphore, #tpu.memory_space<semaphore_mem>>, %arg13: memref<!tpu.dma_semaphore, #tpu.memory_space<semaphore_mem>>, %arg14: memref<!tpu.dma_semaphore, #tpu.memory_space<semaphore_mem>>, %arg15: memref<!tpu.dma_semaphore, #tpu.memory_space<semaphore_mem>>, %arg16: memref<!tpu.dma_semaphore, #tpu.memory_space<semaphore_mem>>, %arg17: memref<!tpu.dma_semaphore, #tpu.memory_space<semaphore_mem>>) attributes {dimension_semantics = [#tpu.dimension_semantics<core_parallel>, #tpu.dimension_semantics<subcore_parallel>], iteration_bounds = array<i64: 2, 16>, scalar_prefetch = 0 : i64, scratch_operands = 13 : i64, tpu.core_type = #tpu.core_type<sc_vector_subcore>, window_params = [{transform_indices = #map}, {transform_indices = #map1}, {transform_indices = #map2}]} {
    %mul3A = arith.constant 2 : i32
    %mul3A_0 = arith.muli %arg1, %mul3A : i32
    %add3A = arith.addi %mul3A_0, %arg0 : i32
    "tpu.region"() ({
      %run_scoped3A = tpu.sem_alloc : memref<!tpu.dma_semaphore, #tpu.memory_space<semaphore_mem>>
      %dma_start3A_801 = arith.constant 0 : i32
      %dma_start3A_802 = arith.constant 0 : i32
      %dma_start3A_803 = tpu.memref_slice %arg3[%add3A, %dma_start3A_801, %dma_start3A_802] : memref<32x200x128xi32, #tpu.memory_space<hbm>> -> memref<1x200x128xi32, #tpu.memory_space<hbm>>
      %dma_start3A_804 = tpu.memref_squeeze %dma_start3A_803 : memref<1x200x128xi32, #tpu.memory_space<hbm>> -> memref<200x128xi32, #tpu.memory_space<hbm>>
      %dma_start3A_805 = arith.constant 0 : i32
      %dma_start3A_806 = arith.constant 0 : i32
      %dma_start3A_807 = tpu.memref_slice %arg3[%add3A, %dma_start3A_805, %dma_start3A_806] : memref<32x200x128xi32, #tpu.memory_space<hbm>> -> memref<1x200x128xi32, #tpu.memory_space<hbm>>
      %dma_start3A_808 = tpu.memref_squeeze %dma_start3A_807 : memref<1x200x128xi32, #tpu.memory_space<hbm>> -> memref<200x128xi32, #tpu.memory_space<hbm>>
      tpu.enqueue_dma source(%dma_start3A_808 : memref<200x128xi32, #tpu.memory_space<hbm>>) target(%arg5 : memref<200x128xi32, #tpu.memory_space<vmem>>) target_semaphore(%run_scoped3A : memref<!tpu.dma_semaphore, #tpu.memory_space<semaphore_mem>>)
      %dma_wait3A_809 = arith.constant 0 : i32
      %dma_wait3A_810 = arith.constant 0 : i32
      %dma_wait3A_811 = tpu.memref_slice %arg3[%add3A, %dma_wait3A_809, %dma_wait3A_810] : memref<32x200x128xi32, #tpu.memory_space<hbm>> -> memref<1x200x128xi32, #tpu.memory_space<hbm>>
      %dma_wait3A_812 = tpu.memref_squeeze %dma_wait3A_811 : memref<1x200x128xi32, #tpu.memory_space<hbm>> -> memref<200x128xi32, #tpu.memory_space<hbm>>
      %dma_wait3A_813 = arith.constant 0 : i32
      %dma_wait3A_814 = arith.constant 0 : i32
      %dma_wait3A_815 = tpu.memref_slice %arg3[%add3A, %dma_wait3A_813, %dma_wait3A_814] : memref<32x200x128xi32, #tpu.memory_space<hbm>> -> memref<1x200x128xi32, #tpu.memory_space<hbm>>
      %dma_wait3A_816 = tpu.memref_squeeze %dma_wait3A_815 : memref<1x200x128xi32, #tpu.memory_space<hbm>> -> memref<200x128xi32, #tpu.memory_space<hbm>>
      tpu.wait_dma2 semaphore(%run_scoped3A : memref<!tpu.dma_semaphore, #tpu.memory_space<semaphore_mem>>) src(%dma_wait3A_816 : memref<200x128xi32, #tpu.memory_space<hbm>>) dst(%arg5 : memref<200x128xi32, #tpu.memory_space<vmem>>)
      tpu.yield
    }) : () -> ()
    %iota3A = tpu.iota {dimensions = array<i32: 0>} : vector<16xi32>
    %get3A = arith.constant 0 : i32
    %get3A_1 = arith.index_cast %get3A : i32 to index
    %get3A_2 = arith.constant 0 : index
    %get3A_3 = tpu.vector_load %arg5[%get3A_1, %get3A_2] {strides = array<i32>} : memref<200x128xi32, #tpu.memory_space<vmem>>, vector<1x16xi32>,
    %get3A_4 = vector.shape_cast %get3A_3 : vector<1x16xi32> to vector<16xi32>
    %add3A_5 = arith.constant 0 : i32
    %add3A_6 = vector.broadcast %add3A_5 : i32 to vector<16xi32>
    %add3A_7 = arith.addi %add3A_6, %iota3A : vector<16xi32>
    %rem3A = arith.constant 200 : i32
    %rem3A_8 = vector.broadcast %rem3A : i32 to vector<16xi32>
    %rem3A_9 = arith.remsi %add3A_7, %rem3A_8 : vector<16xi32>
    %mul3A_10 = arith.constant 200 : i32
    %mul3A_11 = vector.broadcast %mul3A_10 : i32 to vector<16xi32>
    %mul3A_12 = arith.muli %get3A_4, %mul3A_11 : vector<16xi32>
    %add3A_13 = arith.addi %mul3A_12, %rem3A_9 : vector<16xi32>
    %swap3A = arith.constant 0 : i32
    %swap3A_14 = arith.index_cast %swap3A : i32 to index
    %swap3A_15 = arith.constant 0 : index
    %swap3A_16 = tpu.vector_load %arg5[%swap3A_14, %swap3A_15] {strides = array<i32>} : memref<200x128xi32, #tpu.memory_space<vmem>>, vector<1x16xi32>,
    %swap3A_17 = vector.shape_cast %swap3A_16 : vector<1x16xi32> to vector<16xi32>
    %swap3A_18 = vector.shape_cast %add3A_13 : vector<16xi32> to vector<1x16xi32>
    tpu.vector_store %arg5[%swap3A_14, %swap3A_15], %swap3A_18 {strides = array<i32>} : memref<200x128xi32, #tpu.memory_space<vmem>>, vector<1x16xi32>,
    %get3A_19 = arith.constant 0 : i32
    %get3A_20 = arith.index_cast %get3A_19 : i32 to index
    %get3A_21 = arith.constant 16 : index
    %get3A_22 = tpu.vector_load %arg5[%get3A_20, %get3A_21] {strides = array<i32>} : memref<200x128xi32, #tpu.memory_space<vmem>>, vector<1x16xi32>,
    %get3A_23 = vector.shape_cast %get3A_22 : vector<1x16xi32> to vector<16xi32>
    %add3A_24 = arith.constant 16 : i32
    %add3A_25 = vector.broadcast %add3A_24 : i32 to vector<16xi32>
    %add3A_26 = arith.addi %add3A_25, %iota3A : vector<16xi32>
    %rem3A_27 = arith.constant 200 : i32
    %rem3A_28 = vector.broadcast %rem3A_27 : i32 to vector<16xi32>
    %rem3A_29 = arith.remsi %add3A_26, %rem3A_28 : vector<16xi32>
    %mul3A_30 = arith.constant 200 : i32
    %mul3A_31 = vector.broadcast %mul3A_30 : i32 to vector<16xi32>
    %mul3A_32 = arith.muli %get3A_23, %mul3A_31 : vector<16xi32>
    %add3A_33 = arith.addi %mul3A_32, %rem3A_29 : vector<16xi32>
    %swap3A_34 = arith.constant 0 : i32
    %swap3A_35 = arith.index_cast %swap3A_34 : i32 to index
    %swap3A_36 = arith.constant 16 : index
    %swap3A_37 = tpu.vector_load %arg5[%swap3A_35, %swap3A_36] {strides = array<i32>} : memref<200x128xi32, #tpu.memory_space<vmem>>, vector<1x16xi32>,
    %swap3A_38 = vector.shape_cast %swap3A_37 : vector<1x16xi32> to vector<16xi32>
    %swap3A_39 = vector.shape_cast %add3A_33 : vector<16xi32> to vector<1x16xi32>
    tpu.vector_store %arg5[%swap3A_35, %swap3A_36], %swap3A_39 {strides = array<i32>} : memref<200x128xi32, #tpu.memory_space<vmem>>, vector<1x16xi32>,
    %get3A_40 = arith.constant 0 : i32
    %get3A_41 = arith.index_cast %get3A_40 : i32 to index
    %get3A_42 = arith.constant 32 : index
    %get3A_43 = tpu.vector_load %arg5[%get3A_41, %get3A_42] {strides = array<i32>} : memref<200x128xi32, #tpu.memory_space<vmem>>, vector<1x16xi32>,
    %get3A_44 = vector.shape_cast %get3A_43 : vector<1x16xi32> to vector<16xi32>
    %add3A_45 = arith.constant 32 : i32
    %add3A_46 = vector.broadcast %add3A_45 : i32 to vector<16xi32>
    %add3A_47 = arith.addi %add3A_46, %iota3A : vector<16xi32>
    %rem3A_48 = arith.constant 200 : i32
    %rem3A_49 = vector.broadcast %rem3A_48 : i32 to vector<16xi32>
    %rem3A_50 = arith.remsi %add3A_47, %rem3A_49 : vector<16xi32>
    %mul3A_51 = arith.constant 200 : i32
    %mul3A_52 = vector.broadcast %mul3A_51 : i32 to vector<16xi32>
    %mul3A_53 = arith.muli %get3A_44, %mul3A_52 : vector<16xi32>
    %add3A_54 = arith.addi %mul3A_53, %rem3A_50 : vector<16xi32>
    %swap3A_55 = arith.constant 0 : i32
    %swap3A_56 = arith.index_cast %swap3A_55 : i32 to index
    %swap3A_57 = arith.constant 32 : index
    %swap3A_58 = tpu.vector_load %arg5[%swap3A_56, %swap3A_57] {strides = array<i32>} : memref<200x128xi32, #tpu.memory_space<vmem>>, vector<1x16xi32>,
    %swap3A_59 = vector.shape_cast %swap3A_58 : vector<1x16xi32> to vector<16xi32>
    %swap3A_60 = vector.shape_cast %add3A_54 : vector<16xi32> to vector<1x16xi32>
    tpu.vector_store %arg5[%swap3A_56, %swap3A_57], %swap3A_60 {strides = array<i32>} : memref<200x128xi32, #tpu.memory_space<vmem>>, vector<1x16xi32>,
    %get3A_61 = arith.constant 0 : i32
    %get3A_62 = arith.index_cast %get3A_61 : i32 to index
    %get3A_63 = arith.constant 48 : index
    %get3A_64 = tpu.vector_load %arg5[%get3A_62, %get3A_63] {strides = array<i32>} : memref<200x128xi32, #tpu.memory_space<vmem>>, vector<1x16xi32>,
    %get3A_65 = vector.shape_cast %get3A_64 : vector<1x16xi32> to vector<16xi32>
    %add3A_66 = arith.constant 48 : i32
    %add3A_67 = vector.broadcast %add3A_66 : i32 to vector<16xi32>
    %add3A_68 = arith.addi %add3A_67, %iota3A : vector<16xi32>
    %rem3A_69 = arith.constant 200 : i32
    %rem3A_70 = vector.broadcast %rem3A_69 : i32 to vector<16xi32>
    %rem3A_71 = arith.remsi %add3A_68, %rem3A_70 : vector<16xi32>
    %mul3A_72 = arith.constant 200 : i32
    %mul3A_73 = vector.broadcast %mul3A_72 : i32 to vector<16xi32>
    %mul3A_74 = arith.muli %get3A_65, %mul3A_73 : vector<16xi32>
    %add3A_75 = arith.addi %mul3A_74, %rem3A_71 : vector<16xi32>
    %swap3A_76 = arith.constant 0 : i32
    %swap3A_77 = arith.index_cast %swap3A_76 : i32 to index
    %swap3A_78 = arith.constant 48 : index
    %swap3A_79 = tpu.vector_load %arg5[%swap3A_77, %swap3A_78] {strides = array<i32>} : memref<200x128xi32, #tpu.memory_space<vmem>>, vector<1x16xi32>,
    %swap3A_80 = vector.shape_cast %swap3A_79 : vector<1x16xi32> to vector<16xi32>
    %swap3A_81 = vector.shape_cast %add3A_75 : vector<16xi32> to vector<1x16xi32>
    tpu.vector_store %arg5[%swap3A_77, %swap3A_78], %swap3A_81 {strides = array<i32>} : memref<200x128xi32, #tpu.memory_space<vmem>>, vector<1x16xi32>,
    %get3A_82 = arith.constant 0 : i32
    %get3A_83 = arith.index_cast %get3A_82 : i32 to index
    %get3A_84 = arith.constant 64 : index
    %get3A_85 = tpu.vector_load %arg5[%get3A_83, %get3A_84] {strides = array<i32>} : memref<200x128xi32, #tpu.memory_space<vmem>>, vector<1x16xi32>,
    %get3A_86 = vector.shape_cast %get3A_85 : vector<1x16xi32> to vector<16xi32>
    %add3A_87 = arith.constant 64 : i32
    %add3A_88 = vector.broadcast %add3A_87 : i32 to vector<16xi32>
    %add3A_89 = arith.addi %add3A_88, %iota3A : vector<16xi32>
    %rem3A_90 = arith.constant 200 : i32
    %rem3A_91 = vector.broadcast %rem3A_90 : i32 to vector<16xi32>
    %rem3A_92 = arith.remsi %add3A_89, %rem3A_91 : vector<16xi32>
    %mul3A_93 = arith.constant 200 : i32
    %mul3A_94 = vector.broadcast %mul3A_93 : i32 to vector<16xi32>
    %mul3A_95 = arith.muli %get3A_86, %mul3A_94 : vector<16xi32>
    %add3A_96 = arith.addi %mul3A_95, %rem3A_92 : vector<16xi32>
    %swap3A_97 = arith.constant 0 : i32
    %swap3A_98 = arith.index_cast %swap3A_97 : i32 to index
    %swap3A_99 = arith.constant 64 : index
    %swap3A_100 = tpu.vector_load %arg5[%swap3A_98, %swap3A_99] {strides = array<i32>} : memref<200x128xi32, #tpu.memory_space<vmem>>, vector<1x16xi32>,
    %swap3A_101 = vector.shape_cast %swap3A_100 : vector<1x16xi32> to vector<16xi32>
    %swap3A_102 = vector.shape_cast %add3A_96 : vector<16xi32> to vector<1x16xi32>
    tpu.vector_store %arg5[%swap3A_98, %swap3A_99], %swap3A_102 {strides = array<i32>} : memref<200x128xi32, #tpu.memory_space<vmem>>, vector<1x16xi32>,
    %get3A_103 = arith.constant 0 : i32
    %get3A_104 = arith.index_cast %get3A_103 : i32 to index
    %get3A_105 = arith.constant 80 : index
    %get3A_106 = tpu.vector_load %arg5[%get3A_104, %get3A_105] {strides = array<i32>} : memref<200x128xi32, #tpu.memory_space<vmem>>, vector<1x16xi32>,
    %get3A_107 = vector.shape_cast %get3A_106 : vector<1x16xi32> to vector<16xi32>
    %add3A_108 = arith.constant 80 : i32
    %add3A_109 = vector.broadcast %add3A_108 : i32 to vector<16xi32>
    %add3A_110 = arith.addi %add3A_109, %iota3A : vector<16xi32>
    %rem3A_111 = arith.constant 200 : i32
    %rem3A_112 = vector.broadcast %rem3A_111 : i32 to vector<16xi32>
    %rem3A_113 = arith.remsi %add3A_110, %rem3A_112 : vector<16xi32>
    %mul3A_114 = arith.constant 200 : i32
    %mul3A_115 = vector.broadcast %mul3A_114 : i32 to vector<16xi32>
    %mul3A_116 = arith.muli %get3A_107, %mul3A_115 : vector<16xi32>
    %add3A_117 = arith.addi %mul3A_116, %rem3A_113 : vector<16xi32>
    %swap3A_118 = arith.constant 0 : i32
    %swap3A_119 = arith.index_cast %swap3A_118 : i32 to index
    %swap3A_120 = arith.constant 80 : index
    %swap3A_121 = tpu.vector_load %arg5[%swap3A_119, %swap3A_120] {strides = array<i32>} : memref<200x128xi32, #tpu.memory_space<vmem>>, vector<1x16xi32>,
    %swap3A_122 = vector.shape_cast %swap3A_121 : vector<1x16xi32> to vector<16xi32>
    %swap3A_123 = vector.shape_cast %add3A_117 : vector<16xi32> to vector<1x16xi32>
    tpu.vector_store %arg5[%swap3A_119, %swap3A_120], %swap3A_123 {strides = array<i32>} : memref<200x128xi32, #tpu.memory_space<vmem>>, vector<1x16xi32>,
    %get3A_124 = arith.constant 0 : i32
    %get3A_125 = arith.index_cast %get3A_124 : i32 to index
    %get3A_126 = arith.constant 96 : index
    %get3A_127 = tpu.vector_load %arg5[%get3A_125, %get3A_126] {strides = array<i32>} : memref<200x128xi32, #tpu.memory_space<vmem>>, vector<1x16xi32>,
    %get3A_128 = vector.shape_cast %get3A_127 : vector<1x16xi32> to vector<16xi32>
    %add3A_129 = arith.constant 96 : i32
    %add3A_130 = vector.broadcast %add3A_129 : i32 to vector<16xi32>
    %add3A_131 = arith.addi %add3A_130, %iota3A : vector<16xi32>
    %rem3A_132 = arith.constant 200 : i32
    %rem3A_133 = vector.broadcast %rem3A_132 : i32 to vector<16xi32>
    %rem3A_134 = arith.remsi %add3A_131, %rem3A_133 : vector<16xi32>
    %mul3A_135 = arith.constant 200 : i32
    %mul3A_136 = vector.broadcast %mul3A_135 : i32 to vector<16xi32>
    %mul3A_137 = arith.muli %get3A_128, %mul3A_136 : vector<16xi32>
    %add3A_138 = arith.addi %mul3A_137, %rem3A_134 : vector<16xi32>
    %swap3A_139 = arith.constant 0 : i32
    %swap3A_140 = arith.index_cast %swap3A_139 : i32 to index
    %swap3A_141 = arith.constant 96 : index
    %swap3A_142 = tpu.vector_load %arg5[%swap3A_140, %swap3A_141] {strides = array<i32>} : memref<200x128xi32, #tpu.memory_space<vmem>>, vector<1x16xi32>,
    %swap3A_143 = vector.shape_cast %swap3A_142 : vector<1x16xi32> to vector<16xi32>
    %swap3A_144 = vector.shape_cast %add3A_138 : vector<16xi32> to vector<1x16xi32>
    tpu.vector_store %arg5[%swap3A_140, %swap3A_141], %swap3A_144 {strides = array<i32>} : memref<200x128xi32, #tpu.memory_space<vmem>>, vector<1x16xi32>,
    %get3A_145 = arith.constant 0 : i32
    %get3A_146 = arith.index_cast %get3A_145 : i32 to index
    %get3A_147 = arith.constant 112 : index
    %get3A_148 = tpu.vector_load %arg5[%get3A_146, %get3A_147] {strides = array<i32>} : memref<200x128xi32, #tpu.memory_space<vmem>>, vector<1x16xi32>,
    %get3A_149 = vector.shape_cast %get3A_148 : vector<1x16xi32> to vector<16xi32>
    %add3A_150 = arith.constant 112 : i32
    %add3A_151 = vector.broadcast %add3A_150 : i32 to vector<16xi32>
    %add3A_152 = arith.addi %add3A_151, %iota3A : vector<16xi32>
    %rem3A_153 = arith.constant 200 : i32
    %rem3A_154 = vector.broadcast %rem3A_153 : i32 to vector<16xi32>
    %rem3A_155 = arith.remsi %add3A_152, %rem3A_154 : vector<16xi32>
    %mul3A_156 = arith.constant 200 : i32
    %mul3A_157 = vector.broadcast %mul3A_156 : i32 to vector<16xi32>
    %mul3A_158 = arith.muli %get3A_149, %mul3A_157 : vector<16xi32>
    %add3A_159 = arith.addi %mul3A_158, %rem3A_155 : vector<16xi32>
    %swap3A_160 = arith.constant 0 : i32
    %swap3A_161 = arith.index_cast %swap3A_160 : i32 to index
    %swap3A_162 = arith.constant 112 : index
    %swap3A_163 = tpu.vector_load %arg5[%swap3A_161, %swap3A_162] {strides = array<i32>} : memref<200x128xi32, #tpu.memory_space<vmem>>, vector<1x16xi32>,
    %swap3A_164 = vector.shape_cast %swap3A_163 : vector<1x16xi32> to vector<16xi32>
    %swap3A_165 = vector.shape_cast %add3A_159 : vector<16xi32> to vector<1x16xi32>
    tpu.vector_store %arg5[%swap3A_161, %swap3A_162], %swap3A_165 {strides = array<i32>} : memref<200x128xi32, #tpu.memory_space<vmem>>, vector<1x16xi32>,
    %dma_start3A = arith.constant 0 : i32
    %dma_start3A_166 = arith.constant 0 : i32
    %dma_start3A_167 = tpu.memref_slice %arg5[%dma_start3A, %dma_start3A_166] : memref<200x128xi32, #tpu.memory_space<vmem>> -> memref<1x128xi32, #tpu.memory_space<vmem>>
    %dma_start3A_168 = tpu.memref_squeeze %dma_start3A_167 : memref<1x128xi32, #tpu.memory_space<vmem>> -> memref<128xi32, #tpu.memory_space<vmem>>
    %dma_start3A_169 = arith.constant 0 : i32
    %dma_start3A_170 = arith.constant 0 : i32
    %dma_start3A_171 = tpu.memref_slice %arg2[%dma_start3A_169, %dma_start3A_170] : memref<25600x128xf32, #tpu.memory_space<hbm>> -> memref<25600x128xf32, #tpu.memory_space<hbm>>
    tpu.enqueue_indirect_dma source(%dma_start3A_171 : memref<25600x128xf32, #tpu.memory_space<hbm>>) target(%arg6 : memref<128x128xf32, #tpu.memory_space<vmem>>) offsets(%dma_start3A_168 : memref<128xi32, #tpu.memory_space<vmem>>) semaphore(%arg10 : memref<!tpu.dma_semaphore, #tpu.memory_space<semaphore_mem>>)
    %get3A_172 = arith.constant 1 : i32
    %get3A_173 = arith.index_cast %get3A_172 : i32 to index
    %get3A_174 = arith.constant 0 : index
    %get3A_175 = tpu.vector_load %arg5[%get3A_173, %get3A_174] {strides = array<i32>} : memref<200x128xi32, #tpu.memory_space<vmem>>, vector<1x16xi32>,
    %get3A_176 = vector.shape_cast %get3A_175 : vector<1x16xi32> to vector<16xi32>
    %add3A_177 = arith.constant 128 : i32
    %add3A_178 = vector.broadcast %add3A_177 : i32 to vector<16xi32>
    %add3A_179 = arith.addi %add3A_178, %iota3A : vector<16xi32>
    %rem3A_180 = arith.constant 200 : i32
    %rem3A_181 = vector.broadcast %rem3A_180 : i32 to vector<16xi32>
    %rem3A_182 = arith.remsi %add3A_179, %rem3A_181 : vector<16xi32>
    %mul3A_183 = arith.constant 200 : i32
    %mul3A_184 = vector.broadcast %mul3A_183 : i32 to vector<16xi32>
    %mul3A_185 = arith.muli %get3A_176, %mul3A_184 : vector<16xi32>
    %add3A_186 = arith.addi %mul3A_185, %rem3A_182 : vector<16xi32>
    %swap3A_187 = arith.constant 1 : i32
    %swap3A_188 = arith.index_cast %swap3A_187 : i32 to index
    %swap3A_189 = arith.constant 0 : index
    %swap3A_190 = tpu.vector_load %arg5[%swap3A_188, %swap3A_189] {strides = array<i32>} : memref<200x128xi32, #tpu.memory_space<vmem>>, vector<1x16xi32>,
    %swap3A_191 = vector.shape_cast %swap3A_190 : vector<1x16xi32> to vector<16xi32>
    %swap3A_192 = vector.shape_cast %add3A_186 : vector<16xi32> to vector<1x16xi32>
    tpu.vector_store %arg5[%swap3A_188, %swap3A_189], %swap3A_192 {strides = array<i32>} : memref<200x128xi32, #tpu.memory_space<vmem>>, vector<1x16xi32>,
    %get3A_193 = arith.constant 1 : i32
    %get3A_194 = arith.index_cast %get3A_193 : i32 to index
    %get3A_195 = arith.constant 16 : index
    %get3A_196 = tpu.vector_load %arg5[%get3A_194, %get3A_195] {strides = array<i32>} : memref<200x128xi32, #tpu.memory_space<vmem>>, vector<1x16xi32>,
    %get3A_197 = vector.shape_cast %get3A_196 : vector<1x16xi32> to vector<16xi32>
    %add3A_198 = arith.constant 144 : i32
    %add3A_199 = vector.broadcast %add3A_198 : i32 to vector<16xi32>
    %add3A_200 = arith.addi %add3A_199, %iota3A : vector<16xi32>
    %rem3A_201 = arith.constant 200 : i32
    %rem3A_202 = vector.broadcast %rem3A_201 : i32 to vector<16xi32>
    %rem3A_203 = arith.remsi %add3A_200, %rem3A_202 : vector<16xi32>
    %mul3A_204 = arith.constant 200 : i32
    %mul3A_205 = vector.broadcast %mul3A_204 : i32 to vector<16xi32>
    %mul3A_206 = arith.muli %get3A_197, %mul3A_205 : vector<16xi32>
    %add3A_207 = arith.addi %mul3A_206, %rem3A_203 : vector<16xi32>
    %swap3A_208 = arith.constant 1 : i32
    %swap3A_209 = arith.index_cast %swap3A_208 : i32 to index
    %swap3A_210 = arith.constant 16 : index
    %swap3A_211 = tpu.vector_load %arg5[%swap3A_209, %swap3A_210] {strides = array<i32>} : memref<200x128xi32, #tpu.memory_space<vmem>>, vector<1x16xi32>,
    %swap3A_212 = vector.shape_cast %swap3A_211 : vector<1x16xi32> to vector<16xi32>
    %swap3A_213 = vector.shape_cast %add3A_207 : vector<16xi32> to vector<1x16xi32>
    tpu.vector_store %arg5[%swap3A_209, %swap3A_210], %swap3A_213 {strides = array<i32>} : memref<200x128xi32, #tpu.memory_space<vmem>>, vector<1x16xi32>,
    %get3A_214 = arith.constant 1 : i32
    %get3A_215 = arith.index_cast %get3A_214 : i32 to index
    %get3A_216 = arith.constant 32 : index
    %get3A_217 = tpu.vector_load %arg5[%get3A_215, %get3A_216] {strides = array<i32>} : memref<200x128xi32, #tpu.memory_space<vmem>>, vector<1x16xi32>,
    %get3A_218 = vector.shape_cast %get3A_217 : vector<1x16xi32> to vector<16xi32>
    %add3A_219 = arith.constant 160 : i32
    %add3A_220 = vector.broadcast %add3A_219 : i32 to vector<16xi32>
    %add3A_221 = arith.addi %add3A_220, %iota3A : vector<16xi32>
    %rem3A_222 = arith.constant 200 : i32
    %rem3A_223 = vector.broadcast %rem3A_222 : i32 to vector<16xi32>
    %rem3A_224 = arith.remsi %add3A_221, %rem3A_223 : vector<16xi32>
    %mul3A_225 = arith.constant 200 : i32
    %mul3A_226 = vector.broadcast %mul3A_225 : i32 to vector<16xi32>
    %mul3A_227 = arith.muli %get3A_218, %mul3A_226 : vector<16xi32>
    %add3A_228 = arith.addi %mul3A_227, %rem3A_224 : vector<16xi32>
    %swap3A_229 = arith.constant 1 : i32
    %swap3A_230 = arith.index_cast %swap3A_229 : i32 to index
    %swap3A_231 = arith.constant 32 : index
    %swap3A_232 = tpu.vector_load %arg5[%swap3A_230, %swap3A_231] {strides = array<i32>} : memref<200x128xi32, #tpu.memory_space<vmem>>, vector<1x16xi32>,
    %swap3A_233 = vector.shape_cast %swap3A_232 : vector<1x16xi32> to vector<16xi32>
    %swap3A_234 = vector.shape_cast %add3A_228 : vector<16xi32> to vector<1x16xi32>
    tpu.vector_store %arg5[%swap3A_230, %swap3A_231], %swap3A_234 {strides = array<i32>} : memref<200x128xi32, #tpu.memory_space<vmem>>, vector<1x16xi32>,
    %get3A_235 = arith.constant 1 : i32
    %get3A_236 = arith.index_cast %get3A_235 : i32 to index
    %get3A_237 = arith.constant 48 : index
    %get3A_238 = tpu.vector_load %arg5[%get3A_236, %get3A_237] {strides = array<i32>} : memref<200x128xi32, #tpu.memory_space<vmem>>, vector<1x16xi32>,
    %get3A_239 = vector.shape_cast %get3A_238 : vector<1x16xi32> to vector<16xi32>
    %add3A_240 = arith.constant 176 : i32
    %add3A_241 = vector.broadcast %add3A_240 : i32 to vector<16xi32>
    %add3A_242 = arith.addi %add3A_241, %iota3A : vector<16xi32>
    %rem3A_243 = arith.constant 200 : i32
    %rem3A_244 = vector.broadcast %rem3A_243 : i32 to vector<16xi32>
    %rem3A_245 = arith.remsi %add3A_242, %rem3A_244 : vector<16xi32>
    %mul3A_246 = arith.constant 200 : i32
    %mul3A_247 = vector.broadcast %mul3A_246 : i32 to vector<16xi32>
    %mul3A_248 = arith.muli %get3A_239, %mul3A_247 : vector<16xi32>
    %add3A_249 = arith.addi %mul3A_248, %rem3A_245 : vector<16xi32>
    %swap3A_250 = arith.constant 1 : i32
    %swap3A_251 = arith.index_cast %swap3A_250 : i32 to index
    %swap3A_252 = arith.constant 48 : index
    %swap3A_253 = tpu.vector_load %arg5[%swap3A_251, %swap3A_252] {strides = array<i32>} : memref<200x128xi32, #tpu.memory_space<vmem>>, vector<1x16xi32>,
    %swap3A_254 = vector.shape_cast %swap3A_253 : vector<1x16xi32> to vector<16xi32>
    %swap3A_255 = vector.shape_cast %add3A_249 : vector<16xi32> to vector<1x16xi32>
    tpu.vector_store %arg5[%swap3A_251, %swap3A_252], %swap3A_255 {strides = array<i32>} : memref<200x128xi32, #tpu.memory_space<vmem>>, vector<1x16xi32>,
    %get3A_256 = arith.constant 1 : i32
    %get3A_257 = arith.index_cast %get3A_256 : i32 to index
    %get3A_258 = arith.constant 64 : index
    %get3A_259 = tpu.vector_load %arg5[%get3A_257, %get3A_258] {strides = array<i32>} : memref<200x128xi32, #tpu.memory_space<vmem>>, vector<1x16xi32>,
    %get3A_260 = vector.shape_cast %get3A_259 : vector<1x16xi32> to vector<16xi32>
    %add3A_261 = arith.constant 192 : i32
    %add3A_262 = vector.broadcast %add3A_261 : i32 to vector<16xi32>
    %add3A_263 = arith.addi %add3A_262, %iota3A : vector<16xi32>
    %rem3A_264 = arith.constant 200 : i32
    %rem3A_265 = vector.broadcast %rem3A_264 : i32 to vector<16xi32>
    %rem3A_266 = arith.remsi %add3A_263, %rem3A_265 : vector<16xi32>
    %mul3A_267 = arith.constant 200 : i32
    %mul3A_268 = vector.broadcast %mul3A_267 : i32 to vector<16xi32>
    %mul3A_269 = arith.muli %get3A_260, %mul3A_268 : vector<16xi32>
    %add3A_270 = arith.addi %mul3A_269, %rem3A_266 : vector<16xi32>
    %swap3A_271 = arith.constant 1 : i32
    %swap3A_272 = arith.index_cast %swap3A_271 : i32 to index
    %swap3A_273 = arith.constant 64 : index
    %swap3A_274 = tpu.vector_load %arg5[%swap3A_272, %swap3A_273] {strides = array<i32>} : memref<200x128xi32, #tpu.memory_space<vmem>>, vector<1x16xi32>,
    %swap3A_275 = vector.shape_cast %swap3A_274 : vector<1x16xi32> to vector<16xi32>
    %swap3A_276 = vector.shape_cast %add3A_270 : vector<16xi32> to vector<1x16xi32>
    tpu.vector_store %arg5[%swap3A_272, %swap3A_273], %swap3A_276 {strides = array<i32>} : memref<200x128xi32, #tpu.memory_space<vmem>>, vector<1x16xi32>,
    %get3A_277 = arith.constant 1 : i32
    %get3A_278 = arith.index_cast %get3A_277 : i32 to index
    %get3A_279 = arith.constant 80 : index
    %get3A_280 = tpu.vector_load %arg5[%get3A_278, %get3A_279] {strides = array<i32>} : memref<200x128xi32, #tpu.memory_space<vmem>>, vector<1x16xi32>,
    %get3A_281 = vector.shape_cast %get3A_280 : vector<1x16xi32> to vector<16xi32>
    %add3A_282 = arith.constant 208 : i32
    %add3A_283 = vector.broadcast %add3A_282 : i32 to vector<16xi32>
    %add3A_284 = arith.addi %add3A_283, %iota3A : vector<16xi32>
    %rem3A_285 = arith.constant 200 : i32
    %rem3A_286 = vector.broadcast %rem3A_285 : i32 to vector<16xi32>
    %rem3A_287 = arith.remsi %add3A_284, %rem3A_286 : vector<16xi32>
    %mul3A_288 = arith.constant 200 : i32
    %mul3A_289 = vector.broadcast %mul3A_288 : i32 to vector<16xi32>
    %mul3A_290 = arith.muli %get3A_281, %mul3A_289 : vector<16xi32>
    %add3A_291 = arith.addi %mul3A_290, %rem3A_287 : vector<16xi32>
    %swap3A_292 = arith.constant 1 : i32
    %swap3A_293 = arith.index_cast %swap3A_292 : i32 to index
    %swap3A_294 = arith.constant 80 : index
    %swap3A_295 = tpu.vector_load %arg5[%swap3A_293, %swap3A_294] {strides = array<i32>} : memref<200x128xi32, #tpu.memory_space<vmem>>, vector<1x16xi32>,
    %swap3A_296 = vector.shape_cast %swap3A_295 : vector<1x16xi32> to vector<16xi32>
    %swap3A_297 = vector.shape_cast %add3A_291 : vector<16xi32> to vector<1x16xi32>
    tpu.vector_store %arg5[%swap3A_293, %swap3A_294], %swap3A_297 {strides = array<i32>} : memref<200x128xi32, #tpu.memory_space<vmem>>, vector<1x16xi32>,
    %get3A_298 = arith.constant 1 : i32
    %get3A_299 = arith.index_cast %get3A_298 : i32 to index
    %get3A_300 = arith.constant 96 : index
    %get3A_301 = tpu.vector_load %arg5[%get3A_299, %get3A_300] {strides = array<i32>} : memref<200x128xi32, #tpu.memory_space<vmem>>, vector<1x16xi32>,
    %get3A_302 = vector.shape_cast %get3A_301 : vector<1x16xi32> to vector<16xi32>
    %add3A_303 = arith.constant 224 : i32
    %add3A_304 = vector.broadcast %add3A_303 : i32 to vector<16xi32>
    %add3A_305 = arith.addi %add3A_304, %iota3A : vector<16xi32>
    %rem3A_306 = arith.constant 200 : i32
    %rem3A_307 = vector.broadcast %rem3A_306 : i32 to vector<16xi32>
    %rem3A_308 = arith.remsi %add3A_305, %rem3A_307 : vector<16xi32>
    %mul3A_309 = arith.constant 200 : i32
    %mul3A_310 = vector.broadcast %mul3A_309 : i32 to vector<16xi32>
    %mul3A_311 = arith.muli %get3A_302, %mul3A_310 : vector<16xi32>
    %add3A_312 = arith.addi %mul3A_311, %rem3A_308 : vector<16xi32>
    %swap3A_313 = arith.constant 1 : i32
    %swap3A_314 = arith.index_cast %swap3A_313 : i32 to index
    %swap3A_315 = arith.constant 96 : index
    %swap3A_316 = tpu.vector_load %arg5[%swap3A_314, %swap3A_315] {strides = array<i32>} : memref<200x128xi32, #tpu.memory_space<vmem>>, vector<1x16xi32>,
    %swap3A_317 = vector.shape_cast %swap3A_316 : vector<1x16xi32> to vector<16xi32>
    %swap3A_318 = vector.shape_cast %add3A_312 : vector<16xi32> to vector<1x16xi32>
    tpu.vector_store %arg5[%swap3A_314, %swap3A_315], %swap3A_318 {strides = array<i32>} : memref<200x128xi32, #tpu.memory_space<vmem>>, vector<1x16xi32>,
    %get3A_319 = arith.constant 1 : i32
    %get3A_320 = arith.index_cast %get3A_319 : i32 to index
    %get3A_321 = arith.constant 112 : index
    %get3A_322 = tpu.vector_load %arg5[%get3A_320, %get3A_321] {strides = array<i32>} : memref<200x128xi32, #tpu.memory_space<vmem>>, vector<1x16xi32>,
    %get3A_323 = vector.shape_cast %get3A_322 : vector<1x16xi32> to vector<16xi32>
    %add3A_324 = arith.constant 240 : i32
    %add3A_325 = vector.broadcast %add3A_324 : i32 to vector<16xi32>
    %add3A_326 = arith.addi %add3A_325, %iota3A : vector<16xi32>
    %rem3A_327 = arith.constant 200 : i32
    %rem3A_328 = vector.broadcast %rem3A_327 : i32 to vector<16xi32>
    %rem3A_329 = arith.remsi %add3A_326, %rem3A_328 : vector<16xi32>
    %mul3A_330 = arith.constant 200 : i32
    %mul3A_331 = vector.broadcast %mul3A_330 : i32 to vector<16xi32>
    %mul3A_332 = arith.muli %get3A_323, %mul3A_331 : vector<16xi32>
    %add3A_333 = arith.addi %mul3A_332, %rem3A_329 : vector<16xi32>
    %swap3A_334 = arith.constant 1 : i32
    %swap3A_335 = arith.index_cast %swap3A_334 : i32 to index
    %swap3A_336 = arith.constant 112 : index
    %swap3A_337 = tpu.vector_load %arg5[%swap3A_335, %swap3A_336] {strides = array<i32>} : memref<200x128xi32, #tpu.memory_space<vmem>>, vector<1x16xi32>,
    %swap3A_338 = vector.shape_cast %swap3A_337 : vector<1x16xi32> to vector<16xi32>
    %swap3A_339 = vector.shape_cast %add3A_333 : vector<16xi32> to vector<1x16xi32>
    tpu.vector_store %arg5[%swap3A_335, %swap3A_336], %swap3A_339 {strides = array<i32>} : memref<200x128xi32, #tpu.memory_space<vmem>>, vector<1x16xi32>,
    %dma_start3A_340 = arith.constant 1 : i32
    %dma_start3A_341 = arith.constant 0 : i32
    %dma_start3A_342 = tpu.memref_slice %arg5[%dma_start3A_340, %dma_start3A_341] : memref<200x128xi32, #tpu.memory_space<vmem>> -> memref<1x128xi32, #tpu.memory_space<vmem>>
    %dma_start3A_343 = tpu.memref_squeeze %dma_start3A_342 : memref<1x128xi32, #tpu.memory_space<vmem>> -> memref<128xi32, #tpu.memory_space<vmem>>
    %dma_start3A_344 = arith.constant 0 : i32
    %dma_start3A_345 = arith.constant 0 : i32
    %dma_start3A_346 = tpu.memref_slice %arg2[%dma_start3A_344, %dma_start3A_345] : memref<25600x128xf32, #tpu.memory_space<hbm>> -> memref<25600x128xf32, #tpu.memory_space<hbm>>
    tpu.enqueue_indirect_dma source(%dma_start3A_346 : memref<25600x128xf32, #tpu.memory_space<hbm>>) target(%arg7 : memref<128x128xf32, #tpu.memory_space<vmem>>) offsets(%dma_start3A_343 : memref<128xi32, #tpu.memory_space<vmem>>) semaphore(%arg11 : memref<!tpu.dma_semaphore, #tpu.memory_space<semaphore_mem>>)
    %get3A_347 = arith.constant 2 : i32
    %get3A_348 = arith.index_cast %get3A_347 : i32 to index
    %get3A_349 = arith.constant 0 : index
    %get3A_350 = tpu.vector_load %arg5[%get3A_348, %get3A_349] {strides = array<i32>} : memref<200x128xi32, #tpu.memory_space<vmem>>, vector<1x16xi32>,
    %get3A_351 = vector.shape_cast %get3A_350 : vector<1x16xi32> to vector<16xi32>
    %add3A_352 = arith.constant 256 : i32
    %add3A_353 = vector.broadcast %add3A_352 : i32 to vector<16xi32>
    %add3A_354 = arith.addi %add3A_353, %iota3A : vector<16xi32>
    %rem3A_355 = arith.constant 200 : i32
    %rem3A_356 = vector.broadcast %rem3A_355 : i32 to vector<16xi32>
    %rem3A_357 = arith.remsi %add3A_354, %rem3A_356 : vector<16xi32>
    %mul3A_358 = arith.constant 200 : i32
    %mul3A_359 = vector.broadcast %mul3A_358 : i32 to vector<16xi32>
    %mul3A_360 = arith.muli %get3A_351, %mul3A_359 : vector<16xi32>
    %add3A_361 = arith.addi %mul3A_360, %rem3A_357 : vector<16xi32>
    %swap3A_362 = arith.constant 2 : i32
    %swap3A_363 = arith.index_cast %swap3A_362 : i32 to index
    %swap3A_364 = arith.constant 0 : index
    %swap3A_365 = tpu.vector_load %arg5[%swap3A_363, %swap3A_364] {strides = array<i32>} : memref<200x128xi32, #tpu.memory_space<vmem>>, vector<1x16xi32>,
    %swap3A_366 = vector.shape_cast %swap3A_365 : vector<1x16xi32> to vector<16xi32>
    %swap3A_367 = vector.shape_cast %add3A_361 : vector<16xi32> to vector<1x16xi32>
    tpu.vector_store %arg5[%swap3A_363, %swap3A_364], %swap3A_367 {strides = array<i32>} : memref<200x128xi32, #tpu.memory_space<vmem>>, vector<1x16xi32>,
    %get3A_368 = arith.constant 2 : i32
    %get3A_369 = arith.index_cast %get3A_368 : i32 to index
    %get3A_370 = arith.constant 16 : index
    %get3A_371 = tpu.vector_load %arg5[%get3A_369, %get3A_370] {strides = array<i32>} : memref<200x128xi32, #tpu.memory_space<vmem>>, vector<1x16xi32>,
    %get3A_372 = vector.shape_cast %get3A_371 : vector<1x16xi32> to vector<16xi32>
    %add3A_373 = arith.constant 272 : i32
    %add3A_374 = vector.broadcast %add3A_373 : i32 to vector<16xi32>
    %add3A_375 = arith.addi %add3A_374, %iota3A : vector<16xi32>
    %rem3A_376 = arith.constant 200 : i32
    %rem3A_377 = vector.broadcast %rem3A_376 : i32 to vector<16xi32>
    %rem3A_378 = arith.remsi %add3A_375, %rem3A_377 : vector<16xi32>
    %mul3A_379 = arith.constant 200 : i32
    %mul3A_380 = vector.broadcast %mul3A_379 : i32 to vector<16xi32>
    %mul3A_381 = arith.muli %get3A_372, %mul3A_380 : vector<16xi32>
    %add3A_382 = arith.addi %mul3A_381, %rem3A_378 : vector<16xi32>
    %swap3A_383 = arith.constant 2 : i32
    %swap3A_384 = arith.index_cast %swap3A_383 : i32 to index
    %swap3A_385 = arith.constant 16 : index
    %swap3A_386 = tpu.vector_load %arg5[%swap3A_384, %swap3A_385] {strides = array<i32>} : memref<200x128xi32, #tpu.memory_space<vmem>>, vector<1x16xi32>,
    %swap3A_387 = vector.shape_cast %swap3A_386 : vector<1x16xi32> to vector<16xi32>
    %swap3A_388 = vector.shape_cast %add3A_382 : vector<16xi32> to vector<1x16xi32>
    tpu.vector_store %arg5[%swap3A_384, %swap3A_385], %swap3A_388 {strides = array<i32>} : memref<200x128xi32, #tpu.memory_space<vmem>>, vector<1x16xi32>,
    %get3A_389 = arith.constant 2 : i32
    %get3A_390 = arith.index_cast %get3A_389 : i32 to index
    %get3A_391 = arith.constant 32 : index
    %get3A_392 = tpu.vector_load %arg5[%get3A_390, %get3A_391] {strides = array<i32>} : memref<200x128xi32, #tpu.memory_space<vmem>>, vector<1x16xi32>,
    %get3A_393 = vector.shape_cast %get3A_392 : vector<1x16xi32> to vector<16xi32>
    %add3A_394 = arith.constant 288 : i32
    %add3A_395 = vector.broadcast %add3A_394 : i32 to vector<16xi32>
    %add3A_396 = arith.addi %add3A_395, %iota3A : vector<16xi32>
    %rem3A_397 = arith.constant 200 : i32
    %rem3A_398 = vector.broadcast %rem3A_397 : i32 to vector<16xi32>
    %rem3A_399 = arith.remsi %add3A_396, %rem3A_398 : vector<16xi32>
    %mul3A_400 = arith.constant 200 : i32
    %mul3A_401 = vector.broadcast %mul3A_400 : i32 to vector<16xi32>
    %mul3A_402 = arith.muli %get3A_393, %mul3A_401 : vector<16xi32>
    %add3A_403 = arith.addi %mul3A_402, %rem3A_399 : vector<16xi32>
    %swap3A_404 = arith.constant 2 : i32
    %swap3A_405 = arith.index_cast %swap3A_404 : i32 to index
    %swap3A_406 = arith.constant 32 : index
    %swap3A_407 = tpu.vector_load %arg5[%swap3A_405, %swap3A_406] {strides = array<i32>} : memref<200x128xi32, #tpu.memory_space<vmem>>, vector<1x16xi32>,
    %swap3A_408 = vector.shape_cast %swap3A_407 : vector<1x16xi32> to vector<16xi32>
    %swap3A_409 = vector.shape_cast %add3A_403 : vector<16xi32> to vector<1x16xi32>
    tpu.vector_store %arg5[%swap3A_405, %swap3A_406], %swap3A_409 {strides = array<i32>} : memref<200x128xi32, #tpu.memory_space<vmem>>, vector<1x16xi32>,
    %get3A_410 = arith.constant 2 : i32
    %get3A_411 = arith.index_cast %get3A_410 : i32 to index
    %get3A_412 = arith.constant 48 : index
    %get3A_413 = tpu.vector_load %arg5[%get3A_411, %get3A_412] {strides = array<i32>} : memref<200x128xi32, #tpu.memory_space<vmem>>, vector<1x16xi32>,
    %get3A_414 = vector.shape_cast %get3A_413 : vector<1x16xi32> to vector<16xi32>
    %add3A_415 = arith.constant 304 : i32
    %add3A_416 = vector.broadcast %add3A_415 : i32 to vector<16xi32>
    %add3A_417 = arith.addi %add3A_416, %iota3A : vector<16xi32>
    %rem3A_418 = arith.constant 200 : i32
    %rem3A_419 = vector.broadcast %rem3A_418 : i32 to vector<16xi32>
    %rem3A_420 = arith.remsi %add3A_417, %rem3A_419 : vector<16xi32>
    %mul3A_421 = arith.constant 200 : i32
    %mul3A_422 = vector.broadcast %mul3A_421 : i32 to vector<16xi32>
    %mul3A_423 = arith.muli %get3A_414, %mul3A_422 : vector<16xi32>
    %add3A_424 = arith.addi %mul3A_423, %rem3A_420 : vector<16xi32>
    %swap3A_425 = arith.constant 2 : i32
    %swap3A_426 = arith.index_cast %swap3A_425 : i32 to index
    %swap3A_427 = arith.constant 48 : index
    %swap3A_428 = tpu.vector_load %arg5[%swap3A_426, %swap3A_427] {strides = array<i32>} : memref<200x128xi32, #tpu.memory_space<vmem>>, vector<1x16xi32>,
    %swap3A_429 = vector.shape_cast %swap3A_428 : vector<1x16xi32> to vector<16xi32>
    %swap3A_430 = vector.shape_cast %add3A_424 : vector<16xi32> to vector<1x16xi32>
    tpu.vector_store %arg5[%swap3A_426, %swap3A_427], %swap3A_430 {strides = array<i32>} : memref<200x128xi32, #tpu.memory_space<vmem>>, vector<1x16xi32>,
    %get3A_431 = arith.constant 2 : i32
    %get3A_432 = arith.index_cast %get3A_431 : i32 to index
    %get3A_433 = arith.constant 64 : index
    %get3A_434 = tpu.vector_load %arg5[%get3A_432, %get3A_433] {strides = array<i32>} : memref<200x128xi32, #tpu.memory_space<vmem>>, vector<1x16xi32>,
    %get3A_435 = vector.shape_cast %get3A_434 : vector<1x16xi32> to vector<16xi32>
    %add3A_436 = arith.constant 320 : i32
    %add3A_437 = vector.broadcast %add3A_436 : i32 to vector<16xi32>
    %add3A_438 = arith.addi %add3A_437, %iota3A : vector<16xi32>
    %rem3A_439 = arith.constant 200 : i32
    %rem3A_440 = vector.broadcast %rem3A_439 : i32 to vector<16xi32>
    %rem3A_441 = arith.remsi %add3A_438, %rem3A_440 : vector<16xi32>
    %mul3A_442 = arith.constant 200 : i32
    %mul3A_443 = vector.broadcast %mul3A_442 : i32 to vector<16xi32>
    %mul3A_444 = arith.muli %get3A_435, %mul3A_443 : vector<16xi32>
    %add3A_445 = arith.addi %mul3A_444, %rem3A_441 : vector<16xi32>
    %swap3A_446 = arith.constant 2 : i32
    %swap3A_447 = arith.index_cast %swap3A_446 : i32 to index
    %swap3A_448 = arith.constant 64 : index
    %swap3A_449 = tpu.vector_load %arg5[%swap3A_447, %swap3A_448] {strides = array<i32>} : memref<200x128xi32, #tpu.memory_space<vmem>>, vector<1x16xi32>,
    %swap3A_450 = vector.shape_cast %swap3A_449 : vector<1x16xi32> to vector<16xi32>
    %swap3A_451 = vector.shape_cast %add3A_445 : vector<16xi32> to vector<1x16xi32>
    tpu.vector_store %arg5[%swap3A_447, %swap3A_448], %swap3A_451 {strides = array<i32>} : memref<200x128xi32, #tpu.memory_space<vmem>>, vector<1x16xi32>,
    %get3A_452 = arith.constant 2 : i32
    %get3A_453 = arith.index_cast %get3A_452 : i32 to index
    %get3A_454 = arith.constant 80 : index
    %get3A_455 = tpu.vector_load %arg5[%get3A_453, %get3A_454] {strides = array<i32>} : memref<200x128xi32, #tpu.memory_space<vmem>>, vector<1x16xi32>,
    %get3A_456 = vector.shape_cast %get3A_455 : vector<1x16xi32> to vector<16xi32>
    %add3A_457 = arith.constant 336 : i32
    %add3A_458 = vector.broadcast %add3A_457 : i32 to vector<16xi32>
    %add3A_459 = arith.addi %add3A_458, %iota3A : vector<16xi32>
    %rem3A_460 = arith.constant 200 : i32
    %rem3A_461 = vector.broadcast %rem3A_460 : i32 to vector<16xi32>
    %rem3A_462 = arith.remsi %add3A_459, %rem3A_461 : vector<16xi32>
    %mul3A_463 = arith.constant 200 : i32
    %mul3A_464 = vector.broadcast %mul3A_463 : i32 to vector<16xi32>
    %mul3A_465 = arith.muli %get3A_456, %mul3A_464 : vector<16xi32>
    %add3A_466 = arith.addi %mul3A_465, %rem3A_462 : vector<16xi32>
    %swap3A_467 = arith.constant 2 : i32
    %swap3A_468 = arith.index_cast %swap3A_467 : i32 to index
    %swap3A_469 = arith.constant 80 : index
    %swap3A_470 = tpu.vector_load %arg5[%swap3A_468, %swap3A_469] {strides = array<i32>} : memref<200x128xi32, #tpu.memory_space<vmem>>, vector<1x16xi32>,
    %swap3A_471 = vector.shape_cast %swap3A_470 : vector<1x16xi32> to vector<16xi32>
    %swap3A_472 = vector.shape_cast %add3A_466 : vector<16xi32> to vector<1x16xi32>
    tpu.vector_store %arg5[%swap3A_468, %swap3A_469], %swap3A_472 {strides = array<i32>} : memref<200x128xi32, #tpu.memory_space<vmem>>, vector<1x16xi32>,
    %get3A_473 = arith.constant 2 : i32
    %get3A_474 = arith.index_cast %get3A_473 : i32 to index
    %get3A_475 = arith.constant 96 : index
    %get3A_476 = tpu.vector_load %arg5[%get3A_474, %get3A_475] {strides = array<i32>} : memref<200x128xi32, #tpu.memory_space<vmem>>, vector<1x16xi32>,
    %get3A_477 = vector.shape_cast %get3A_476 : vector<1x16xi32> to vector<16xi32>
    %add3A_478 = arith.constant 352 : i32
    %add3A_479 = vector.broadcast %add3A_478 : i32 to vector<16xi32>
    %add3A_480 = arith.addi %add3A_479, %iota3A : vector<16xi32>
    %rem3A_481 = arith.constant 200 : i32
    %rem3A_482 = vector.broadcast %rem3A_481 : i32 to vector<16xi32>
    %rem3A_483 = arith.remsi %add3A_480, %rem3A_482 : vector<16xi32>
    %mul3A_484 = arith.constant 200 : i32
    %mul3A_485 = vector.broadcast %mul3A_484 : i32 to vector<16xi32>
    %mul3A_486 = arith.muli %get3A_477, %mul3A_485 : vector<16xi32>
    %add3A_487 = arith.addi %mul3A_486, %rem3A_483 : vector<16xi32>
    %swap3A_488 = arith.constant 2 : i32
    %swap3A_489 = arith.index_cast %swap3A_488 : i32 to index
    %swap3A_490 = arith.constant 96 : index
    %swap3A_491 = tpu.vector_load %arg5[%swap3A_489, %swap3A_490] {strides = array<i32>} : memref<200x128xi32, #tpu.memory_space<vmem>>, vector<1x16xi32>,
    %swap3A_492 = vector.shape_cast %swap3A_491 : vector<1x16xi32> to vector<16xi32>
    %swap3A_493 = vector.shape_cast %add3A_487 : vector<16xi32> to vector<1x16xi32>
    tpu.vector_store %arg5[%swap3A_489, %swap3A_490], %swap3A_493 {strides = array<i32>} : memref<200x128xi32, #tpu.memory_space<vmem>>, vector<1x16xi32>,
    %get3A_494 = arith.constant 2 : i32
    %get3A_495 = arith.index_cast %get3A_494 : i32 to index
    %get3A_496 = arith.constant 112 : index
    %get3A_497 = tpu.vector_load %arg5[%get3A_495, %get3A_496] {strides = array<i32>} : memref<200x128xi32, #tpu.memory_space<vmem>>, vector<1x16xi32>,
    %get3A_498 = vector.shape_cast %get3A_497 : vector<1x16xi32> to vector<16xi32>
    %add3A_499 = arith.constant 368 : i32
    %add3A_500 = vector.broadcast %add3A_499 : i32 to vector<16xi32>
    %add3A_501 = arith.addi %add3A_500, %iota3A : vector<16xi32>
    %rem3A_502 = arith.constant 200 : i32
    %rem3A_503 = vector.broadcast %rem3A_502 : i32 to vector<16xi32>
    %rem3A_504 = arith.remsi %add3A_501, %rem3A_503 : vector<16xi32>
    %mul3A_505 = arith.constant 200 : i32
    %mul3A_506 = vector.broadcast %mul3A_505 : i32 to vector<16xi32>
    %mul3A_507 = arith.muli %get3A_498, %mul3A_506 : vector<16xi32>
    %add3A_508 = arith.addi %mul3A_507, %rem3A_504 : vector<16xi32>
    %swap3A_509 = arith.constant 2 : i32
    %swap3A_510 = arith.index_cast %swap3A_509 : i32 to index
    %swap3A_511 = arith.constant 112 : index
    %swap3A_512 = tpu.vector_load %arg5[%swap3A_510, %swap3A_511] {strides = array<i32>} : memref<200x128xi32, #tpu.memory_space<vmem>>, vector<1x16xi32>,
    %swap3A_513 = vector.shape_cast %swap3A_512 : vector<1x16xi32> to vector<16xi32>
    %swap3A_514 = vector.shape_cast %add3A_508 : vector<16xi32> to vector<1x16xi32>
    tpu.vector_store %arg5[%swap3A_510, %swap3A_511], %swap3A_514 {strides = array<i32>} : memref<200x128xi32, #tpu.memory_space<vmem>>, vector<1x16xi32>,
    %dma_start3A_515 = arith.constant 2 : i32
    %dma_start3A_516 = arith.constant 0 : i32
    %dma_start3A_517 = tpu.memref_slice %arg5[%dma_start3A_515, %dma_start3A_516] : memref<200x128xi32, #tpu.memory_space<vmem>> -> memref<1x128xi32, #tpu.memory_space<vmem>>
    %dma_start3A_518 = tpu.memref_squeeze %dma_start3A_517 : memref<1x128xi32, #tpu.memory_space<vmem>> -> memref<128xi32, #tpu.memory_space<vmem>>
    %dma_start3A_519 = arith.constant 0 : i32
    %dma_start3A_520 = arith.constant 0 : i32
    %dma_start3A_521 = tpu.memref_slice %arg2[%dma_start3A_519, %dma_start3A_520] : memref<25600x128xf32, #tpu.memory_space<hbm>> -> memref<25600x128xf32, #tpu.memory_space<hbm>>
    tpu.enqueue_indirect_dma source(%dma_start3A_521 : memref<25600x128xf32, #tpu.memory_space<hbm>>) target(%arg8 : memref<128x128xf32, #tpu.memory_space<vmem>>) offsets(%dma_start3A_518 : memref<128xi32, #tpu.memory_space<vmem>>) semaphore(%arg12 : memref<!tpu.dma_semaphore, #tpu.memory_space<semaphore_mem>>)
    %get3A_522 = arith.constant 3 : i32
    %get3A_523 = arith.index_cast %get3A_522 : i32 to index
    %get3A_524 = arith.constant 0 : index
    %get3A_525 = tpu.vector_load %arg5[%get3A_523, %get3A_524] {strides = array<i32>} : memref<200x128xi32, #tpu.memory_space<vmem>>, vector<1x16xi32>,
    %get3A_526 = vector.shape_cast %get3A_525 : vector<1x16xi32> to vector<16xi32>
    %add3A_527 = arith.constant 384 : i32
    %add3A_528 = vector.broadcast %add3A_527 : i32 to vector<16xi32>
    %add3A_529 = arith.addi %add3A_528, %iota3A : vector<16xi32>
    %rem3A_530 = arith.constant 200 : i32
    %rem3A_531 = vector.broadcast %rem3A_530 : i32 to vector<16xi32>
    %rem3A_532 = arith.remsi %add3A_529, %rem3A_531 : vector<16xi32>
    %mul3A_533 = arith.constant 200 : i32
    %mul3A_534 = vector.broadcast %mul3A_533 : i32 to vector<16xi32>
    %mul3A_535 = arith.muli %get3A_526, %mul3A_534 : vector<16xi32>
    %add3A_536 = arith.addi %mul3A_535, %rem3A_532 : vector<16xi32>
    %swap3A_537 = arith.constant 3 : i32
    %swap3A_538 = arith.index_cast %swap3A_537 : i32 to index
    %swap3A_539 = arith.constant 0 : index
    %swap3A_540 = tpu.vector_load %arg5[%swap3A_538, %swap3A_539] {strides = array<i32>} : memref<200x128xi32, #tpu.memory_space<vmem>>, vector<1x16xi32>,
    %swap3A_541 = vector.shape_cast %swap3A_540 : vector<1x16xi32> to vector<16xi32>
    %swap3A_542 = vector.shape_cast %add3A_536 : vector<16xi32> to vector<1x16xi32>
    tpu.vector_store %arg5[%swap3A_538, %swap3A_539], %swap3A_542 {strides = array<i32>} : memref<200x128xi32, #tpu.memory_space<vmem>>, vector<1x16xi32>,
    %get3A_543 = arith.constant 3 : i32
    %get3A_544 = arith.index_cast %get3A_543 : i32 to index
    %get3A_545 = arith.constant 16 : index
    %get3A_546 = tpu.vector_load %arg5[%get3A_544, %get3A_545] {strides = array<i32>} : memref<200x128xi32, #tpu.memory_space<vmem>>, vector<1x16xi32>,
    %get3A_547 = vector.shape_cast %get3A_546 : vector<1x16xi32> to vector<16xi32>
    %add3A_548 = arith.constant 400 : i32
    %add3A_549 = vector.broadcast %add3A_548 : i32 to vector<16xi32>
    %add3A_550 = arith.addi %add3A_549, %iota3A : vector<16xi32>
    %rem3A_551 = arith.constant 200 : i32
    %rem3A_552 = vector.broadcast %rem3A_551 : i32 to vector<16xi32>
    %rem3A_553 = arith.remsi %add3A_550, %rem3A_552 : vector<16xi32>
    %mul3A_554 = arith.constant 200 : i32
    %mul3A_555 = vector.broadcast %mul3A_554 : i32 to vector<16xi32>
    %mul3A_556 = arith.muli %get3A_547, %mul3A_555 : vector<16xi32>
    %add3A_557 = arith.addi %mul3A_556, %rem3A_553 : vector<16xi32>
    %swap3A_558 = arith.constant 3 : i32
    %swap3A_559 = arith.index_cast %swap3A_558 : i32 to index
    %swap3A_560 = arith.constant 16 : index
    %swap3A_561 = tpu.vector_load %arg5[%swap3A_559, %swap3A_560] {strides = array<i32>} : memref<200x128xi32, #tpu.memory_space<vmem>>, vector<1x16xi32>,
    %swap3A_562 = vector.shape_cast %swap3A_561 : vector<1x16xi32> to vector<16xi32>
    %swap3A_563 = vector.shape_cast %add3A_557 : vector<16xi32> to vector<1x16xi32>
    tpu.vector_store %arg5[%swap3A_559, %swap3A_560], %swap3A_563 {strides = array<i32>} : memref<200x128xi32, #tpu.memory_space<vmem>>, vector<1x16xi32>,
    %get3A_564 = arith.constant 3 : i32
    %get3A_565 = arith.index_cast %get3A_564 : i32 to index
    %get3A_566 = arith.constant 32 : index
    %get3A_567 = tpu.vector_load %arg5[%get3A_565, %get3A_566] {strides = array<i32>} : memref<200x128xi32, #tpu.memory_space<vmem>>, vector<1x16xi32>,
    %get3A_568 = vector.shape_cast %get3A_567 : vector<1x16xi32> to vector<16xi32>
    %add3A_569 = arith.constant 416 : i32
    %add3A_570 = vector.broadcast %add3A_569 : i32 to vector<16xi32>
    %add3A_571 = arith.addi %add3A_570, %iota3A : vector<16xi32>
    %rem3A_572 = arith.constant 200 : i32
    %rem3A_573 = vector.broadcast %rem3A_572 : i32 to vector<16xi32>
    %rem3A_574 = arith.remsi %add3A_571, %rem3A_573 : vector<16xi32>
    %mul3A_575 = arith.constant 200 : i32
    %mul3A_576 = vector.broadcast %mul3A_575 : i32 to vector<16xi32>
    %mul3A_577 = arith.muli %get3A_568, %mul3A_576 : vector<16xi32>
    %add3A_578 = arith.addi %mul3A_577, %rem3A_574 : vector<16xi32>
    %swap3A_579 = arith.constant 3 : i32
    %swap3A_580 = arith.index_cast %swap3A_579 : i32 to index
    %swap3A_581 = arith.constant 32 : index
    %swap3A_582 = tpu.vector_load %arg5[%swap3A_580, %swap3A_581] {strides = array<i32>} : memref<200x128xi32, #tpu.memory_space<vmem>>, vector<1x16xi32>,
    %swap3A_583 = vector.shape_cast %swap3A_582 : vector<1x16xi32> to vector<16xi32>
    %swap3A_584 = vector.shape_cast %add3A_578 : vector<16xi32> to vector<1x16xi32>
    tpu.vector_store %arg5[%swap3A_580, %swap3A_581], %swap3A_584 {strides = array<i32>} : memref<200x128xi32, #tpu.memory_space<vmem>>, vector<1x16xi32>,
    %get3A_585 = arith.constant 3 : i32
    %get3A_586 = arith.index_cast %get3A_585 : i32 to index
    %get3A_587 = arith.constant 48 : index
    %get3A_588 = tpu.vector_load %arg5[%get3A_586, %get3A_587] {strides = array<i32>} : memref<200x128xi32, #tpu.memory_space<vmem>>, vector<1x16xi32>,
    %get3A_589 = vector.shape_cast %get3A_588 : vector<1x16xi32> to vector<16xi32>
    %add3A_590 = arith.constant 432 : i32
    %add3A_591 = vector.broadcast %add3A_590 : i32 to vector<16xi32>
    %add3A_592 = arith.addi %add3A_591, %iota3A : vector<16xi32>
    %rem3A_593 = arith.constant 200 : i32
    %rem3A_594 = vector.broadcast %rem3A_593 : i32 to vector<16xi32>
    %rem3A_595 = arith.remsi %add3A_592, %rem3A_594 : vector<16xi32>
    %mul3A_596 = arith.constant 200 : i32
    %mul3A_597 = vector.broadcast %mul3A_596 : i32 to vector<16xi32>
    %mul3A_598 = arith.muli %get3A_589, %mul3A_597 : vector<16xi32>
    %add3A_599 = arith.addi %mul3A_598, %rem3A_595 : vector<16xi32>
    %swap3A_600 = arith.constant 3 : i32
    %swap3A_601 = arith.index_cast %swap3A_600 : i32 to index
    %swap3A_602 = arith.constant 48 : index
    %swap3A_603 = tpu.vector_load %arg5[%swap3A_601, %swap3A_602] {strides = array<i32>} : memref<200x128xi32, #tpu.memory_space<vmem>>, vector<1x16xi32>,
    %swap3A_604 = vector.shape_cast %swap3A_603 : vector<1x16xi32> to vector<16xi32>
    %swap3A_605 = vector.shape_cast %add3A_599 : vector<16xi32> to vector<1x16xi32>
    tpu.vector_store %arg5[%swap3A_601, %swap3A_602], %swap3A_605 {strides = array<i32>} : memref<200x128xi32, #tpu.memory_space<vmem>>, vector<1x16xi32>,
    %get3A_606 = arith.constant 3 : i32
    %get3A_607 = arith.index_cast %get3A_606 : i32 to index
    %get3A_608 = arith.constant 64 : index
    %get3A_609 = tpu.vector_load %arg5[%get3A_607, %get3A_608] {strides = array<i32>} : memref<200x128xi32, #tpu.memory_space<vmem>>, vector<1x16xi32>,
    %get3A_610 = vector.shape_cast %get3A_609 : vector<1x16xi32> to vector<16xi32>
    %add3A_611 = arith.constant 448 : i32
    %add3A_612 = vector.broadcast %add3A_611 : i32 to vector<16xi32>
    %add3A_613 = arith.addi %add3A_612, %iota3A : vector<16xi32>
    %rem3A_614 = arith.constant 200 : i32
    %rem3A_615 = vector.broadcast %rem3A_614 : i32 to vector<16xi32>
    %rem3A_616 = arith.remsi %add3A_613, %rem3A_615 : vector<16xi32>
    %mul3A_617 = arith.constant 200 : i32
    %mul3A_618 = vector.broadcast %mul3A_617 : i32 to vector<16xi32>
    %mul3A_619 = arith.muli %get3A_610, %mul3A_618 : vector<16xi32>
    %add3A_620 = arith.addi %mul3A_619, %rem3A_616 : vector<16xi32>
    %swap3A_621 = arith.constant 3 : i32
    %swap3A_622 = arith.index_cast %swap3A_621 : i32 to index
    %swap3A_623 = arith.constant 64 : index
    %swap3A_624 = tpu.vector_load %arg5[%swap3A_622, %swap3A_623] {strides = array<i32>} : memref<200x128xi32, #tpu.memory_space<vmem>>, vector<1x16xi32>,
    %swap3A_625 = vector.shape_cast %swap3A_624 : vector<1x16xi32> to vector<16xi32>
    %swap3A_626 = vector.shape_cast %add3A_620 : vector<16xi32> to vector<1x16xi32>
    tpu.vector_store %arg5[%swap3A_622, %swap3A_623], %swap3A_626 {strides = array<i32>} : memref<200x128xi32, #tpu.memory_space<vmem>>, vector<1x16xi32>,
    %get3A_627 = arith.constant 3 : i32
    %get3A_628 = arith.index_cast %get3A_627 : i32 to index
    %get3A_629 = arith.constant 80 : index
    %get3A_630 = tpu.vector_load %arg5[%get3A_628, %get3A_629] {strides = array<i32>} : memref<200x128xi32, #tpu.memory_space<vmem>>, vector<1x16xi32>,
    %get3A_631 = vector.shape_cast %get3A_630 : vector<1x16xi32> to vector<16xi32>
    %add3A_632 = arith.constant 464 : i32
    %add3A_633 = vector.broadcast %add3A_632 : i32 to vector<16xi32>
    %add3A_634 = arith.addi %add3A_633, %iota3A : vector<16xi32>
    %rem3A_635 = arith.constant 200 : i32
    %rem3A_636 = vector.broadcast %rem3A_635 : i32 to vector<16xi32>
    %rem3A_637 = arith.remsi %add3A_634, %rem3A_636 : vector<16xi32>
    %mul3A_638 = arith.constant 200 : i32
    %mul3A_639 = vector.broadcast %mul3A_638 : i32 to vector<16xi32>
    %mul3A_640 = arith.muli %get3A_631, %mul3A_639 : vector<16xi32>
    %add3A_641 = arith.addi %mul3A_640, %rem3A_637 : vector<16xi32>
    %swap3A_642 = arith.constant 3 : i32
    %swap3A_643 = arith.index_cast %swap3A_642 : i32 to index
    %swap3A_644 = arith.constant 80 : index
    %swap3A_645 = tpu.vector_load %arg5[%swap3A_643, %swap3A_644] {strides = array<i32>} : memref<200x128xi32, #tpu.memory_space<vmem>>, vector<1x16xi32>,
    %swap3A_646 = vector.shape_cast %swap3A_645 : vector<1x16xi32> to vector<16xi32>
    %swap3A_647 = vector.shape_cast %add3A_641 : vector<16xi32> to vector<1x16xi32>
    tpu.vector_store %arg5[%swap3A_643, %swap3A_644], %swap3A_647 {strides = array<i32>} : memref<200x128xi32, #tpu.memory_space<vmem>>, vector<1x16xi32>,
    %get3A_648 = arith.constant 3 : i32
    %get3A_649 = arith.index_cast %get3A_648 : i32 to index
    %get3A_650 = arith.constant 96 : index
    %get3A_651 = tpu.vector_load %arg5[%get3A_649, %get3A_650] {strides = array<i32>} : memref<200x128xi32, #tpu.memory_space<vmem>>, vector<1x16xi32>,
    %get3A_652 = vector.shape_cast %get3A_651 : vector<1x16xi32> to vector<16xi32>
    %add3A_653 = arith.constant 480 : i32
    %add3A_654 = vector.broadcast %add3A_653 : i32 to vector<16xi32>
    %add3A_655 = arith.addi %add3A_654, %iota3A : vector<16xi32>
    %rem3A_656 = arith.constant 200 : i32
    %rem3A_657 = vector.broadcast %rem3A_656 : i32 to vector<16xi32>
    %rem3A_658 = arith.remsi %add3A_655, %rem3A_657 : vector<16xi32>
    %mul3A_659 = arith.constant 200 : i32
    %mul3A_660 = vector.broadcast %mul3A_659 : i32 to vector<16xi32>
    %mul3A_661 = arith.muli %get3A_652, %mul3A_660 : vector<16xi32>
    %add3A_662 = arith.addi %mul3A_661, %rem3A_658 : vector<16xi32>
    %swap3A_663 = arith.constant 3 : i32
    %swap3A_664 = arith.index_cast %swap3A_663 : i32 to index
    %swap3A_665 = arith.constant 96 : index
    %swap3A_666 = tpu.vector_load %arg5[%swap3A_664, %swap3A_665] {strides = array<i32>} : memref<200x128xi32, #tpu.memory_space<vmem>>, vector<1x16xi32>,
    %swap3A_667 = vector.shape_cast %swap3A_666 : vector<1x16xi32> to vector<16xi32>
    %swap3A_668 = vector.shape_cast %add3A_662 : vector<16xi32> to vector<1x16xi32>
    tpu.vector_store %arg5[%swap3A_664, %swap3A_665], %swap3A_668 {strides = array<i32>} : memref<200x128xi32, #tpu.memory_space<vmem>>, vector<1x16xi32>,
    %get3A_669 = arith.constant 3 : i32
    %get3A_670 = arith.index_cast %get3A_669 : i32 to index
    %get3A_671 = arith.constant 112 : index
    %get3A_672 = tpu.vector_load %arg5[%get3A_670, %get3A_671] {strides = array<i32>} : memref<200x128xi32, #tpu.memory_space<vmem>>, vector<1x16xi32>,
    %get3A_673 = vector.shape_cast %get3A_672 : vector<1x16xi32> to vector<16xi32>
    %add3A_674 = arith.constant 496 : i32
    %add3A_675 = vector.broadcast %add3A_674 : i32 to vector<16xi32>
    %add3A_676 = arith.addi %add3A_675, %iota3A : vector<16xi32>
    %rem3A_677 = arith.constant 200 : i32
    %rem3A_678 = vector.broadcast %rem3A_677 : i32 to vector<16xi32>
    %rem3A_679 = arith.remsi %add3A_676, %rem3A_678 : vector<16xi32>
    %mul3A_680 = arith.constant 200 : i32
    %mul3A_681 = vector.broadcast %mul3A_680 : i32 to vector<16xi32>
    %mul3A_682 = arith.muli %get3A_673, %mul3A_681 : vector<16xi32>
    %add3A_683 = arith.addi %mul3A_682, %rem3A_679 : vector<16xi32>
    %swap3A_684 = arith.constant 3 : i32
    %swap3A_685 = arith.index_cast %swap3A_684 : i32 to index
    %swap3A_686 = arith.constant 112 : index
    %swap3A_687 = tpu.vector_load %arg5[%swap3A_685, %swap3A_686] {strides = array<i32>} : memref<200x128xi32, #tpu.memory_space<vmem>>, vector<1x16xi32>,
    %swap3A_688 = vector.shape_cast %swap3A_687 : vector<1x16xi32> to vector<16xi32>
    %swap3A_689 = vector.shape_cast %add3A_683 : vector<16xi32> to vector<1x16xi32>
    tpu.vector_store %arg5[%swap3A_685, %swap3A_686], %swap3A_689 {strides = array<i32>} : memref<200x128xi32, #tpu.memory_space<vmem>>, vector<1x16xi32>,
    %dma_start3A_690 = arith.constant 3 : i32
    %dma_start3A_691 = arith.constant 0 : i32
    %dma_start3A_692 = tpu.memref_slice %arg5[%dma_start3A_690, %dma_start3A_691] : memref<200x128xi32, #tpu.memory_space<vmem>> -> memref<1x128xi32, #tpu.memory_space<vmem>>
    %dma_start3A_693 = tpu.memref_squeeze %dma_start3A_692 : memref<1x128xi32, #tpu.memory_space<vmem>> -> memref<128xi32, #tpu.memory_space<vmem>>
    %dma_start3A_694 = arith.constant 0 : i32
    %dma_start3A_695 = arith.constant 0 : i32
    %dma_start3A_696 = tpu.memref_slice %arg2[%dma_start3A_694, %dma_start3A_695] : memref<25600x128xf32, #tpu.memory_space<hbm>> -> memref<25600x128xf32, #tpu.memory_space<hbm>>
    tpu.enqueue_indirect_dma source(%dma_start3A_696 : memref<25600x128xf32, #tpu.memory_space<hbm>>) target(%arg9 : memref<128x128xf32, #tpu.memory_space<vmem>>) offsets(%dma_start3A_693 : memref<128xi32, #tpu.memory_space<vmem>>) semaphore(%arg13 : memref<!tpu.dma_semaphore, #tpu.memory_space<semaphore_mem>>)
    %scan3A = arith.constant 0 : i32
    %scan3A_697 = arith.constant 0 : i32
    %scan3A_698 = arith.constant 49 : i32
    %scan3A_699 = arith.addi %scan3A_697, %scan3A_698 : i32
    %scan3A_700 = arith.constant 1 : i32
    scf.for %scan3A_801 = %scan3A_697 to %scan3A_699 step %scan3A_700  : i32 {
      %mul3A_802 = arith.constant 4 : i32
      %mul3A_803 = arith.muli %scan3A_801, %mul3A_802 : i32
      %add3A_804 = arith.constant 0 : i32
      %add3A_805 = arith.addi %mul3A_803, %add3A_804 : i32
      %dma_wait3A_806 = arith.constant 0 : i32
      %dma_wait3A_807 = tpu.memref_slice %arg5[%add3A_805, %dma_wait3A_806] : memref<200x128xi32, #tpu.memory_space<vmem>> -> memref<1x128xi32, #tpu.memory_space<vmem>>
      %dma_wait3A_808 = tpu.memref_squeeze %dma_wait3A_807 : memref<1x128xi32, #tpu.memory_space<vmem>> -> memref<128xi32, #tpu.memory_space<vmem>>
      %dma_wait3A_809 = arith.constant 0 : i32
      %dma_wait3A_810 = arith.constant 0 : i32
      %dma_wait3A_811 = tpu.memref_slice %arg2[%dma_wait3A_809, %dma_wait3A_810] : memref<25600x128xf32, #tpu.memory_space<hbm>> -> memref<25600x128xf32, #tpu.memory_space<hbm>>
      tpu.wait_indirect_dma semaphore(%arg10 : memref<!tpu.dma_semaphore, #tpu.memory_space<semaphore_mem>>) src(%dma_wait3A_811 : memref<25600x128xf32, #tpu.memory_space<hbm>>) dst(%arg6 : memref<128x128xf32, #tpu.memory_space<vmem>>)
      %dma_start3A_812 = arith.constant 0 : i32
      %dma_start3A_813 = arith.constant 0 : i32
      %dma_start3A_814 = tpu.memref_slice %arg4[%add3A, %add3A_805, %dma_start3A_812, %dma_start3A_813] : memref<32x200x128x128xf32, #tpu.memory_space<hbm>> -> memref<1x1x128x128xf32, #tpu.memory_space<hbm>>
      %dma_start3A_815 = tpu.memref_squeeze %dma_start3A_814 : memref<1x1x128x128xf32, #tpu.memory_space<hbm>> -> memref<128x128xf32, #tpu.memory_space<hbm>>
      %dma_start3A_816 = arith.constant 0 : i32
      %dma_start3A_817 = arith.constant 0 : i32
      %dma_start3A_818 = tpu.memref_slice %arg4[%add3A, %add3A_805, %dma_start3A_816, %dma_start3A_817] : memref<32x200x128x128xf32, #tpu.memory_space<hbm>> -> memref<1x1x128x128xf32, #tpu.memory_space<hbm>>
      %dma_start3A_819 = tpu.memref_squeeze %dma_start3A_818 : memref<1x1x128x128xf32, #tpu.memory_space<hbm>> -> memref<128x128xf32, #tpu.memory_space<hbm>>
      tpu.enqueue_dma source(%arg6 : memref<128x128xf32, #tpu.memory_space<vmem>>) target(%dma_start3A_819 : memref<128x128xf32, #tpu.memory_space<hbm>>) target_semaphore(%arg14 : memref<!tpu.dma_semaphore, #tpu.memory_space<semaphore_mem>>)
      %mul3A_820 = arith.constant 4 : i32
      %mul3A_821 = arith.muli %scan3A_801, %mul3A_820 : i32
      %add3A_822 = arith.constant 1 : i32
      %add3A_823 = arith.addi %mul3A_821, %add3A_822 : i32
      %dma_wait3A_824 = arith.constant 0 : i32
      %dma_wait3A_825 = tpu.memref_slice %arg5[%add3A_823, %dma_wait3A_824] : memref<200x128xi32, #tpu.memory_space<vmem>> -> memref<1x128xi32, #tpu.memory_space<vmem>>
      %dma_wait3A_826 = tpu.memref_squeeze %dma_wait3A_825 : memref<1x128xi32, #tpu.memory_space<vmem>> -> memref<128xi32, #tpu.memory_space<vmem>>
      %dma_wait3A_827 = arith.constant 0 : i32
      %dma_wait3A_828 = arith.constant 0 : i32
      %dma_wait3A_829 = tpu.memref_slice %arg2[%dma_wait3A_827, %dma_wait3A_828] : memref<25600x128xf32, #tpu.memory_space<hbm>> -> memref<25600x128xf32, #tpu.memory_space<hbm>>
      tpu.wait_indirect_dma semaphore(%arg11 : memref<!tpu.dma_semaphore, #tpu.memory_space<semaphore_mem>>) src(%dma_wait3A_829 : memref<25600x128xf32, #tpu.memory_space<hbm>>) dst(%arg7 : memref<128x128xf32, #tpu.memory_space<vmem>>)
      %dma_start3A_830 = arith.constant 0 : i32
      %dma_start3A_831 = arith.constant 0 : i32
      %dma_start3A_832 = tpu.memref_slice %arg4[%add3A, %add3A_823, %dma_start3A_830, %dma_start3A_831] : memref<32x200x128x128xf32, #tpu.memory_space<hbm>> -> memref<1x1x128x128xf32, #tpu.memory_space<hbm>>
      %dma_start3A_833 = tpu.memref_squeeze %dma_start3A_832 : memref<1x1x128x128xf32, #tpu.memory_space<hbm>> -> memref<128x128xf32, #tpu.memory_space<hbm>>
      %dma_start3A_834 = arith.constant 0 : i32
      %dma_start3A_835 = arith.constant 0 : i32
      %dma_start3A_836 = tpu.memref_slice %arg4[%add3A, %add3A_823, %dma_start3A_834, %dma_start3A_835] : memref<32x200x128x128xf32, #tpu.memory_space<hbm>> -> memref<1x1x128x128xf32, #tpu.memory_space<hbm>>
      %dma_start3A_837 = tpu.memref_squeeze %dma_start3A_836 : memref<1x1x128x128xf32, #tpu.memory_space<hbm>> -> memref<128x128xf32, #tpu.memory_space<hbm>>
      tpu.enqueue_dma source(%arg7 : memref<128x128xf32, #tpu.memory_space<vmem>>) target(%dma_start3A_837 : memref<128x128xf32, #tpu.memory_space<hbm>>) target_semaphore(%arg15 : memref<!tpu.dma_semaphore, #tpu.memory_space<semaphore_mem>>)
      %mul3A_838 = arith.constant 4 : i32
      %mul3A_839 = arith.muli %scan3A_801, %mul3A_838 : i32
      %add3A_840 = arith.constant 2 : i32
      %add3A_841 = arith.addi %mul3A_839, %add3A_840 : i32
      %dma_wait3A_842 = arith.constant 0 : i32
      %dma_wait3A_843 = tpu.memref_slice %arg5[%add3A_841, %dma_wait3A_842] : memref<200x128xi32, #tpu.memory_space<vmem>> -> memref<1x128xi32, #tpu.memory_space<vmem>>
      %dma_wait3A_844 = tpu.memref_squeeze %dma_wait3A_843 : memref<1x128xi32, #tpu.memory_space<vmem>> -> memref<128xi32, #tpu.memory_space<vmem>>
      %dma_wait3A_845 = arith.constant 0 : i32
      %dma_wait3A_846 = arith.constant 0 : i32
      %dma_wait3A_847 = tpu.memref_slice %arg2[%dma_wait3A_845, %dma_wait3A_846] : memref<25600x128xf32, #tpu.memory_space<hbm>> -> memref<25600x128xf32, #tpu.memory_space<hbm>>
      tpu.wait_indirect_dma semaphore(%arg12 : memref<!tpu.dma_semaphore, #tpu.memory_space<semaphore_mem>>) src(%dma_wait3A_847 : memref<25600x128xf32, #tpu.memory_space<hbm>>) dst(%arg8 : memref<128x128xf32, #tpu.memory_space<vmem>>)
      %dma_start3A_848 = arith.constant 0 : i32
      %dma_start3A_849 = arith.constant 0 : i32
      %dma_start3A_850 = tpu.memref_slice %arg4[%add3A, %add3A_841, %dma_start3A_848, %dma_start3A_849] : memref<32x200x128x128xf32, #tpu.memory_space<hbm>> -> memref<1x1x128x128xf32, #tpu.memory_space<hbm>>
      %dma_start3A_851 = tpu.memref_squeeze %dma_start3A_850 : memref<1x1x128x128xf32, #tpu.memory_space<hbm>> -> memref<128x128xf32, #tpu.memory_space<hbm>>
      %dma_start3A_852 = arith.constant 0 : i32
      %dma_start3A_853 = arith.constant 0 : i32
      %dma_start3A_854 = tpu.memref_slice %arg4[%add3A, %add3A_841, %dma_start3A_852, %dma_start3A_853] : memref<32x200x128x128xf32, #tpu.memory_space<hbm>> -> memref<1x1x128x128xf32, #tpu.memory_space<hbm>>
      %dma_start3A_855 = tpu.memref_squeeze %dma_start3A_854 : memref<1x1x128x128xf32, #tpu.memory_space<hbm>> -> memref<128x128xf32, #tpu.memory_space<hbm>>
      tpu.enqueue_dma source(%arg8 : memref<128x128xf32, #tpu.memory_space<vmem>>) target(%dma_start3A_855 : memref<128x128xf32, #tpu.memory_space<hbm>>) target_semaphore(%arg16 : memref<!tpu.dma_semaphore, #tpu.memory_space<semaphore_mem>>)
      %mul3A_856 = arith.constant 4 : i32
      %mul3A_857 = arith.muli %scan3A_801, %mul3A_856 : i32
      %add3A_858 = arith.constant 3 : i32
      %add3A_859 = arith.addi %mul3A_857, %add3A_858 : i32
      %dma_wait3A_860 = arith.constant 0 : i32
      %dma_wait3A_861 = tpu.memref_slice %arg5[%add3A_859, %dma_wait3A_860] : memref<200x128xi32, #tpu.memory_space<vmem>> -> memref<1x128xi32, #tpu.memory_space<vmem>>
      %dma_wait3A_862 = tpu.memref_squeeze %dma_wait3A_861 : memref<1x128xi32, #tpu.memory_space<vmem>> -> memref<128xi32, #tpu.memory_space<vmem>>
      %dma_wait3A_863 = arith.constant 0 : i32
      %dma_wait3A_864 = arith.constant 0 : i32
      %dma_wait3A_865 = tpu.memref_slice %arg2[%dma_wait3A_863, %dma_wait3A_864] : memref<25600x128xf32, #tpu.memory_space<hbm>> -> memref<25600x128xf32, #tpu.memory_space<hbm>>
      tpu.wait_indirect_dma semaphore(%arg13 : memref<!tpu.dma_semaphore, #tpu.memory_space<semaphore_mem>>) src(%dma_wait3A_865 : memref<25600x128xf32, #tpu.memory_space<hbm>>) dst(%arg9 : memref<128x128xf32, #tpu.memory_space<vmem>>)
      %dma_start3A_866 = arith.constant 0 : i32
      %dma_start3A_867 = arith.constant 0 : i32
      %dma_start3A_868 = tpu.memref_slice %arg4[%add3A, %add3A_859, %dma_start3A_866, %dma_start3A_867] : memref<32x200x128x128xf32, #tpu.memory_space<hbm>> -> memref<1x1x128x128xf32, #tpu.memory_space<hbm>>
      %dma_start3A_869 = tpu.memref_squeeze %dma_start3A_868 : memref<1x1x128x128xf32, #tpu.memory_space<hbm>> -> memref<128x128xf32, #tpu.memory_space<hbm>>
      %dma_start3A_870 = arith.constant 0 : i32
      %dma_start3A_871 = arith.constant 0 : i32
      %dma_start3A_872 = tpu.memref_slice %arg4[%add3A, %add3A_859, %dma_start3A_870, %dma_start3A_871] : memref<32x200x128x128xf32, #tpu.memory_space<hbm>> -> memref<1x1x128x128xf32, #tpu.memory_space<hbm>>
      %dma_start3A_873 = tpu.memref_squeeze %dma_start3A_872 : memref<1x1x128x128xf32, #tpu.memory_space<hbm>> -> memref<128x128xf32, #tpu.memory_space<hbm>>
      tpu.enqueue_dma source(%arg9 : memref<128x128xf32, #tpu.memory_space<vmem>>) target(%dma_start3A_873 : memref<128x128xf32, #tpu.memory_space<hbm>>) target_semaphore(%arg17 : memref<!tpu.dma_semaphore, #tpu.memory_space<semaphore_mem>>)
      %mul3A_874 = arith.constant 4 : i32
      %mul3A_875 = arith.muli %scan3A_801, %mul3A_874 : i32
      %add3A_876 = arith.constant 0 : i32
      %add3A_877 = arith.addi %mul3A_875, %add3A_876 : i32
      %dma_wait3A_878 = arith.constant 0 : i32
      %dma_wait3A_879 = arith.constant 0 : i32
      %dma_wait3A_880 = tpu.memref_slice %arg4[%add3A, %add3A_877, %dma_wait3A_878, %dma_wait3A_879] : memref<32x200x128x128xf32, #tpu.memory_space<hbm>> -> memref<1x1x128x128xf32, #tpu.memory_space<hbm>>
      %dma_wait3A_881 = tpu.memref_squeeze %dma_wait3A_880 : memref<1x1x128x128xf32, #tpu.memory_space<hbm>> -> memref<128x128xf32, #tpu.memory_space<hbm>>
      %dma_wait3A_882 = arith.constant 0 : i32
      %dma_wait3A_883 = arith.constant 0 : i32
      %dma_wait3A_884 = tpu.memref_slice %arg4[%add3A, %add3A_877, %dma_wait3A_882, %dma_wait3A_883] : memref<32x200x128x128xf32, #tpu.memory_space<hbm>> -> memref<1x1x128x128xf32, #tpu.memory_space<hbm>>
      %dma_wait3A_885 = tpu.memref_squeeze %dma_wait3A_884 : memref<1x1x128x128xf32, #tpu.memory_space<hbm>> -> memref<128x128xf32, #tpu.memory_space<hbm>>
      tpu.wait_dma2 semaphore(%arg14 : memref<!tpu.dma_semaphore, #tpu.memory_space<semaphore_mem>>) src(%arg6 : memref<128x128xf32, #tpu.memory_space<vmem>>) dst(%dma_wait3A_885 : memref<128x128xf32, #tpu.memory_space<hbm>>)
      %add3A_886 = arith.constant 4 : i32
      %add3A_887 = arith.addi %add3A_877, %add3A_886 : i32
      %get3A_888 = arith.index_cast %add3A_887 : i32 to index
      %get3A_889 = arith.constant 0 : index
      %get3A_890 = tpu.vector_load %arg5[%get3A_888, %get3A_889] {strides = array<i32>} : memref<200x128xi32, #tpu.memory_space<vmem>>, vector<1x16xi32>,
      %get3A_891 = vector.shape_cast %get3A_890 : vector<1x16xi32> to vector<16xi32>
      %mul3A_892 = arith.constant 128 : i32
      %mul3A_893 = arith.muli %add3A_887, %mul3A_892 : i32
      %add3A_894 = arith.constant 0 : i32
      %add3A_895 = arith.addi %mul3A_893, %add3A_894 : i32
      %add3A_896 = vector.broadcast %add3A_895 : i32 to vector<16xi32>
      %add3A_897 = arith.addi %add3A_896, %iota3A : vector<16xi32>
      %rem3A_898 = arith.constant 200 : i32
      %rem3A_899 = vector.broadcast %rem3A_898 : i32 to vector<16xi32>
      %rem3A_900 = arith.remsi %add3A_897, %rem3A_899 : vector<16xi32>
      %mul3A_901 = arith.constant 200 : i32
      %mul3A_902 = vector.broadcast %mul3A_901 : i32 to vector<16xi32>
      %mul3A_903 = arith.muli %get3A_891, %mul3A_902 : vector<16xi32>
      %add3A_904 = arith.addi %mul3A_903, %rem3A_900 : vector<16xi32>
      %swap3A_905 = arith.index_cast %add3A_887 : i32 to index
      %swap3A_906 = arith.constant 0 : index
      %swap3A_907 = tpu.vector_load %arg5[%swap3A_905, %swap3A_906] {strides = array<i32>} : memref<200x128xi32, #tpu.memory_space<vmem>>, vector<1x16xi32>,
      %swap3A_908 = vector.shape_cast %swap3A_907 : vector<1x16xi32> to vector<16xi32>
      %swap3A_909 = vector.shape_cast %add3A_904 : vector<16xi32> to vector<1x16xi32>
      tpu.vector_store %arg5[%swap3A_905, %swap3A_906], %swap3A_909 {strides = array<i32>} : memref<200x128xi32, #tpu.memory_space<vmem>>, vector<1x16xi32>,
      %get3A_910 = arith.index_cast %add3A_887 : i32 to index
      %get3A_911 = arith.constant 16 : index
      %get3A_912 = tpu.vector_load %arg5[%get3A_910, %get3A_911] {strides = array<i32>} : memref<200x128xi32, #tpu.memory_space<vmem>>, vector<1x16xi32>,
      %get3A_913 = vector.shape_cast %get3A_912 : vector<1x16xi32> to vector<16xi32>
      %mul3A_914 = arith.constant 128 : i32
      %mul3A_915 = arith.muli %add3A_887, %mul3A_914 : i32
      %add3A_916 = arith.constant 16 : i32
      %add3A_917 = arith.addi %mul3A_915, %add3A_916 : i32
      %add3A_918 = vector.broadcast %add3A_917 : i32 to vector<16xi32>
      %add3A_919 = arith.addi %add3A_918, %iota3A : vector<16xi32>
      %rem3A_920 = arith.constant 200 : i32
      %rem3A_921 = vector.broadcast %rem3A_920 : i32 to vector<16xi32>
      %rem3A_922 = arith.remsi %add3A_919, %rem3A_921 : vector<16xi32>
      %mul3A_923 = arith.constant 200 : i32
      %mul3A_924 = vector.broadcast %mul3A_923 : i32 to vector<16xi32>
      %mul3A_925 = arith.muli %get3A_913, %mul3A_924 : vector<16xi32>
      %add3A_926 = arith.addi %mul3A_925, %rem3A_922 : vector<16xi32>
      %swap3A_927 = arith.index_cast %add3A_887 : i32 to index
      %swap3A_928 = arith.constant 16 : index
      %swap3A_929 = tpu.vector_load %arg5[%swap3A_927, %swap3A_928] {strides = array<i32>} : memref<200x128xi32, #tpu.memory_space<vmem>>, vector<1x16xi32>,
      %swap3A_930 = vector.shape_cast %swap3A_929 : vector<1x16xi32> to vector<16xi32>
      %swap3A_931 = vector.shape_cast %add3A_926 : vector<16xi32> to vector<1x16xi32>
      tpu.vector_store %arg5[%swap3A_927, %swap3A_928], %swap3A_931 {strides = array<i32>} : memref<200x128xi32, #tpu.memory_space<vmem>>, vector<1x16xi32>,
      %get3A_932 = arith.index_cast %add3A_887 : i32 to index
      %get3A_933 = arith.constant 32 : index
      %get3A_934 = tpu.vector_load %arg5[%get3A_932, %get3A_933] {strides = array<i32>} : memref<200x128xi32, #tpu.memory_space<vmem>>, vector<1x16xi32>,
      %get3A_935 = vector.shape_cast %get3A_934 : vector<1x16xi32> to vector<16xi32>
      %mul3A_936 = arith.constant 128 : i32
      %mul3A_937 = arith.muli %add3A_887, %mul3A_936 : i32
      %add3A_938 = arith.constant 32 : i32
      %add3A_939 = arith.addi %mul3A_937, %add3A_938 : i32
      %add3A_940 = vector.broadcast %add3A_939 : i32 to vector<16xi32>
      %add3A_941 = arith.addi %add3A_940, %iota3A : vector<16xi32>
      %rem3A_942 = arith.constant 200 : i32
      %rem3A_943 = vector.broadcast %rem3A_942 : i32 to vector<16xi32>
      %rem3A_944 = arith.remsi %add3A_941, %rem3A_943 : vector<16xi32>
      %mul3A_945 = arith.constant 200 : i32
      %mul3A_946 = vector.broadcast %mul3A_945 : i32 to vector<16xi32>
      %mul3A_947 = arith.muli %get3A_935, %mul3A_946 : vector<16xi32>
      %add3A_948 = arith.addi %mul3A_947, %rem3A_944 : vector<16xi32>
      %swap3A_949 = arith.index_cast %add3A_887 : i32 to index
      %swap3A_950 = arith.constant 32 : index
      %swap3A_951 = tpu.vector_load %arg5[%swap3A_949, %swap3A_950] {strides = array<i32>} : memref<200x128xi32, #tpu.memory_space<vmem>>, vector<1x16xi32>,
      %swap3A_952 = vector.shape_cast %swap3A_951 : vector<1x16xi32> to vector<16xi32>
      %swap3A_953 = vector.shape_cast %add3A_948 : vector<16xi32> to vector<1x16xi32>
      tpu.vector_store %arg5[%swap3A_949, %swap3A_950], %swap3A_953 {strides = array<i32>} : memref<200x128xi32, #tpu.memory_space<vmem>>, vector<1x16xi32>,
      %get3A_954 = arith.index_cast %add3A_887 : i32 to index
      %get3A_955 = arith.constant 48 : index
      %get3A_956 = tpu.vector_load %arg5[%get3A_954, %get3A_955] {strides = array<i32>} : memref<200x128xi32, #tpu.memory_space<vmem>>, vector<1x16xi32>,
      %get3A_957 = vector.shape_cast %get3A_956 : vector<1x16xi32> to vector<16xi32>
      %mul3A_958 = arith.constant 128 : i32
      %mul3A_959 = arith.muli %add3A_887, %mul3A_958 : i32
      %add3A_960 = arith.constant 48 : i32
      %add3A_961 = arith.addi %mul3A_959, %add3A_960 : i32
      %add3A_962 = vector.broadcast %add3A_961 : i32 to vector<16xi32>
      %add3A_963 = arith.addi %add3A_962, %iota3A : vector<16xi32>
      %rem3A_964 = arith.constant 200 : i32
      %rem3A_965 = vector.broadcast %rem3A_964 : i32 to vector<16xi32>
      %rem3A_966 = arith.remsi %add3A_963, %rem3A_965 : vector<16xi32>
      %mul3A_967 = arith.constant 200 : i32
      %mul3A_968 = vector.broadcast %mul3A_967 : i32 to vector<16xi32>
      %mul3A_969 = arith.muli %get3A_957, %mul3A_968 : vector<16xi32>
      %add3A_970 = arith.addi %mul3A_969, %rem3A_966 : vector<16xi32>
      %swap3A_971 = arith.index_cast %add3A_887 : i32 to index
      %swap3A_972 = arith.constant 48 : index
      %swap3A_973 = tpu.vector_load %arg5[%swap3A_971, %swap3A_972] {strides = array<i32>} : memref<200x128xi32, #tpu.memory_space<vmem>>, vector<1x16xi32>,
      %swap3A_974 = vector.shape_cast %swap3A_973 : vector<1x16xi32> to vector<16xi32>
      %swap3A_975 = vector.shape_cast %add3A_970 : vector<16xi32> to vector<1x16xi32>
      tpu.vector_store %arg5[%swap3A_971, %swap3A_972], %swap3A_975 {strides = array<i32>} : memref<200x128xi32, #tpu.memory_space<vmem>>, vector<1x16xi32>,
      %get3A_976 = arith.index_cast %add3A_887 : i32 to index
      %get3A_977 = arith.constant 64 : index
      %get3A_978 = tpu.vector_load %arg5[%get3A_976, %get3A_977] {strides = array<i32>} : memref<200x128xi32, #tpu.memory_space<vmem>>, vector<1x16xi32>,
      %get3A_979 = vector.shape_cast %get3A_978 : vector<1x16xi32> to vector<16xi32>
      %mul3A_980 = arith.constant 128 : i32
      %mul3A_981 = arith.muli %add3A_887, %mul3A_980 : i32
      %add3A_982 = arith.constant 64 : i32
      %add3A_983 = arith.addi %mul3A_981, %add3A_982 : i32
      %add3A_984 = vector.broadcast %add3A_983 : i32 to vector<16xi32>
      %add3A_985 = arith.addi %add3A_984, %iota3A : vector<16xi32>
      %rem3A_986 = arith.constant 200 : i32
      %rem3A_987 = vector.broadcast %rem3A_986 : i32 to vector<16xi32>
      %rem3A_988 = arith.remsi %add3A_985, %rem3A_987 : vector<16xi32>
      %mul3A_989 = arith.constant 200 : i32
      %mul3A_990 = vector.broadcast %mul3A_989 : i32 to vector<16xi32>
      %mul3A_991 = arith.muli %get3A_979, %mul3A_990 : vector<16xi32>
      %add3A_992 = arith.addi %mul3A_991, %rem3A_988 : vector<16xi32>
      %swap3A_993 = arith.index_cast %add3A_887 : i32 to index
      %swap3A_994 = arith.constant 64 : index
      %swap3A_995 = tpu.vector_load %arg5[%swap3A_993, %swap3A_994] {strides = array<i32>} : memref<200x128xi32, #tpu.memory_space<vmem>>, vector<1x16xi32>,
      %swap3A_996 = vector.shape_cast %swap3A_995 : vector<1x16xi32> to vector<16xi32>
      %swap3A_997 = vector.shape_cast %add3A_992 : vector<16xi32> to vector<1x16xi32>
      tpu.vector_store %arg5[%swap3A_993, %swap3A_994], %swap3A_997 {strides = array<i32>} : memref<200x128xi32, #tpu.memory_space<vmem>>, vector<1x16xi32>,
      %get3A_998 = arith.index_cast %add3A_887 : i32 to index
      %get3A_999 = arith.constant 80 : index
      %get3A_1000 = tpu.vector_load %arg5[%get3A_998, %get3A_999] {strides = array<i32>} : memref<200x128xi32, #tpu.memory_space<vmem>>, vector<1x16xi32>,
      %get3A_1001 = vector.shape_cast %get3A_1000 : vector<1x16xi32> to vector<16xi32>
      %mul3A_1002 = arith.constant 128 : i32
      %mul3A_1003 = arith.muli %add3A_887, %mul3A_1002 : i32
      %add3A_1004 = arith.constant 80 : i32
      %add3A_1005 = arith.addi %mul3A_1003, %add3A_1004 : i32
      %add3A_1006 = vector.broadcast %add3A_1005 : i32 to vector<16xi32>
      %add3A_1007 = arith.addi %add3A_1006, %iota3A : vector<16xi32>
      %rem3A_1008 = arith.constant 200 : i32
      %rem3A_1009 = vector.broadcast %rem3A_1008 : i32 to vector<16xi32>
      %rem3A_1010 = arith.remsi %add3A_1007, %rem3A_1009 : vector<16xi32>
      %mul3A_1011 = arith.constant 200 : i32
      %mul3A_1012 = vector.broadcast %mul3A_1011 : i32 to vector<16xi32>
      %mul3A_1013 = arith.muli %get3A_1001, %mul3A_1012 : vector<16xi32>
      %add3A_1014 = arith.addi %mul3A_1013, %rem3A_1010 : vector<16xi32>
      %swap3A_1015 = arith.index_cast %add3A_887 : i32 to index
      %swap3A_1016 = arith.constant 80 : index
      %swap3A_1017 = tpu.vector_load %arg5[%swap3A_1015, %swap3A_1016] {strides = array<i32>} : memref<200x128xi32, #tpu.memory_space<vmem>>, vector<1x16xi32>,
      %swap3A_1018 = vector.shape_cast %swap3A_1017 : vector<1x16xi32> to vector<16xi32>
      %swap3A_1019 = vector.shape_cast %add3A_1014 : vector<16xi32> to vector<1x16xi32>
      tpu.vector_store %arg5[%swap3A_1015, %swap3A_1016], %swap3A_1019 {strides = array<i32>} : memref<200x128xi32, #tpu.memory_space<vmem>>, vector<1x16xi32>,
      %get3A_1020 = arith.index_cast %add3A_887 : i32 to index
      %get3A_1021 = arith.constant 96 : index
      %get3A_1022 = tpu.vector_load %arg5[%get3A_1020, %get3A_1021] {strides = array<i32>} : memref<200x128xi32, #tpu.memory_space<vmem>>, vector<1x16xi32>,
      %get3A_1023 = vector.shape_cast %get3A_1022 : vector<1x16xi32> to vector<16xi32>
      %mul3A_1024 = arith.constant 128 : i32
      %mul3A_1025 = arith.muli %add3A_887, %mul3A_1024 : i32
      %add3A_1026 = arith.constant 96 : i32
      %add3A_1027 = arith.addi %mul3A_1025, %add3A_1026 : i32
      %add3A_1028 = vector.broadcast %add3A_1027 : i32 to vector<16xi32>
      %add3A_1029 = arith.addi %add3A_1028, %iota3A : vector<16xi32>
      %rem3A_1030 = arith.constant 200 : i32
      %rem3A_1031 = vector.broadcast %rem3A_1030 : i32 to vector<16xi32>
      %rem3A_1032 = arith.remsi %add3A_1029, %rem3A_1031 : vector<16xi32>
      %mul3A_1033 = arith.constant 200 : i32
      %mul3A_1034 = vector.broadcast %mul3A_1033 : i32 to vector<16xi32>
      %mul3A_1035 = arith.muli %get3A_1023, %mul3A_1034 : vector<16xi32>
      %add3A_1036 = arith.addi %mul3A_1035, %rem3A_1032 : vector<16xi32>
      %swap3A_1037 = arith.index_cast %add3A_887 : i32 to index
      %swap3A_1038 = arith.constant 96 : index
      %swap3A_1039 = tpu.vector_load %arg5[%swap3A_1037, %swap3A_1038] {strides = array<i32>} : memref<200x128xi32, #tpu.memory_space<vmem>>, vector<1x16xi32>,
      %swap3A_1040 = vector.shape_cast %swap3A_1039 : vector<1x16xi32> to vector<16xi32>
      %swap3A_1041 = vector.shape_cast %add3A_1036 : vector<16xi32> to vector<1x16xi32>
      tpu.vector_store %arg5[%swap3A_1037, %swap3A_1038], %swap3A_1041 {strides = array<i32>} : memref<200x128xi32, #tpu.memory_space<vmem>>, vector<1x16xi32>,
      %get3A_1042 = arith.index_cast %add3A_887 : i32 to index
      %get3A_1043 = arith.constant 112 : index
      %get3A_1044 = tpu.vector_load %arg5[%get3A_1042, %get3A_1043] {strides = array<i32>} : memref<200x128xi32, #tpu.memory_space<vmem>>, vector<1x16xi32>,
      %get3A_1045 = vector.shape_cast %get3A_1044 : vector<1x16xi32> to vector<16xi32>
      %mul3A_1046 = arith.constant 128 : i32
      %mul3A_1047 = arith.muli %add3A_887, %mul3A_1046 : i32
      %add3A_1048 = arith.constant 112 : i32
      %add3A_1049 = arith.addi %mul3A_1047, %add3A_1048 : i32
      %add3A_1050 = vector.broadcast %add3A_1049 : i32 to vector<16xi32>
      %add3A_1051 = arith.addi %add3A_1050, %iota3A : vector<16xi32>
      %rem3A_1052 = arith.constant 200 : i32
      %rem3A_1053 = vector.broadcast %rem3A_1052 : i32 to vector<16xi32>
      %rem3A_1054 = arith.remsi %add3A_1051, %rem3A_1053 : vector<16xi32>
      %mul3A_1055 = arith.constant 200 : i32
      %mul3A_1056 = vector.broadcast %mul3A_1055 : i32 to vector<16xi32>
      %mul3A_1057 = arith.muli %get3A_1045, %mul3A_1056 : vector<16xi32>
      %add3A_1058 = arith.addi %mul3A_1057, %rem3A_1054 : vector<16xi32>
      %swap3A_1059 = arith.index_cast %add3A_887 : i32 to index
      %swap3A_1060 = arith.constant 112 : index
      %swap3A_1061 = tpu.vector_load %arg5[%swap3A_1059, %swap3A_1060] {strides = array<i32>} : memref<200x128xi32, #tpu.memory_space<vmem>>, vector<1x16xi32>,
      %swap3A_1062 = vector.shape_cast %swap3A_1061 : vector<1x16xi32> to vector<16xi32>
      %swap3A_1063 = vector.shape_cast %add3A_1058 : vector<16xi32> to vector<1x16xi32>
      tpu.vector_store %arg5[%swap3A_1059, %swap3A_1060], %swap3A_1063 {strides = array<i32>} : memref<200x128xi32, #tpu.memory_space<vmem>>, vector<1x16xi32>,
      %dma_start3A_1064 = arith.constant 0 : i32
      %dma_start3A_1065 = tpu.memref_slice %arg5[%add3A_887, %dma_start3A_1064] : memref<200x128xi32, #tpu.memory_space<vmem>> -> memref<1x128xi32, #tpu.memory_space<vmem>>
      %dma_start3A_1066 = tpu.memref_squeeze %dma_start3A_1065 : memref<1x128xi32, #tpu.memory_space<vmem>> -> memref<128xi32, #tpu.memory_space<vmem>>
      %dma_start3A_1067 = arith.constant 0 : i32
      %dma_start3A_1068 = arith.constant 0 : i32
      %dma_start3A_1069 = tpu.memref_slice %arg2[%dma_start3A_1067, %dma_start3A_1068] : memref<25600x128xf32, #tpu.memory_space<hbm>> -> memref<25600x128xf32, #tpu.memory_space<hbm>>
      tpu.enqueue_indirect_dma source(%dma_start3A_1069 : memref<25600x128xf32, #tpu.memory_space<hbm>>) target(%arg6 : memref<128x128xf32, #tpu.memory_space<vmem>>) offsets(%dma_start3A_1066 : memref<128xi32, #tpu.memory_space<vmem>>) semaphore(%arg10 : memref<!tpu.dma_semaphore, #tpu.memory_space<semaphore_mem>>)
      %mul3A_1070 = arith.constant 4 : i32
      %mul3A_1071 = arith.muli %scan3A_801, %mul3A_1070 : i32
      %add3A_1072 = arith.constant 1 : i32
      %add3A_1073 = arith.addi %mul3A_1071, %add3A_1072 : i32
      %dma_wait3A_1074 = arith.constant 0 : i32
      %dma_wait3A_1075 = arith.constant 0 : i32
      %dma_wait3A_1076 = tpu.memref_slice %arg4[%add3A, %add3A_1073, %dma_wait3A_1074, %dma_wait3A_1075] : memref<32x200x128x128xf32, #tpu.memory_space<hbm>> -> memref<1x1x128x128xf32, #tpu.memory_space<hbm>>
      %dma_wait3A_1077 = tpu.memref_squeeze %dma_wait3A_1076 : memref<1x1x128x128xf32, #tpu.memory_space<hbm>> -> memref<128x128xf32, #tpu.memory_space<hbm>>
      %dma_wait3A_1078 = arith.constant 0 : i32
      %dma_wait3A_1079 = arith.constant 0 : i32
      %dma_wait3A_1080 = tpu.memref_slice %arg4[%add3A, %add3A_1073, %dma_wait3A_1078, %dma_wait3A_1079] : memref<32x200x128x128xf32, #tpu.memory_space<hbm>> -> memref<1x1x128x128xf32, #tpu.memory_space<hbm>>
      %dma_wait3A_1081 = tpu.memref_squeeze %dma_wait3A_1080 : memref<1x1x128x128xf32, #tpu.memory_space<hbm>> -> memref<128x128xf32, #tpu.memory_space<hbm>>
      tpu.wait_dma2 semaphore(%arg15 : memref<!tpu.dma_semaphore, #tpu.memory_space<semaphore_mem>>) src(%arg7 : memref<128x128xf32, #tpu.memory_space<vmem>>) dst(%dma_wait3A_1081 : memref<128x128xf32, #tpu.memory_space<hbm>>)
      %add3A_1082 = arith.constant 4 : i32
      %add3A_1083 = arith.addi %add3A_1073, %add3A_1082 : i32
      %get3A_1084 = arith.index_cast %add3A_1083 : i32 to index
      %get3A_1085 = arith.constant 0 : index
      %get3A_1086 = tpu.vector_load %arg5[%get3A_1084, %get3A_1085] {strides = array<i32>} : memref<200x128xi32, #tpu.memory_space<vmem>>, vector<1x16xi32>,
      %get3A_1087 = vector.shape_cast %get3A_1086 : vector<1x16xi32> to vector<16xi32>
      %mul3A_1088 = arith.constant 128 : i32
      %mul3A_1089 = arith.muli %add3A_1083, %mul3A_1088 : i32
      %add3A_1090 = arith.constant 0 : i32
      %add3A_1091 = arith.addi %mul3A_1089, %add3A_1090 : i32
      %add3A_1092 = vector.broadcast %add3A_1091 : i32 to vector<16xi32>
      %add3A_1093 = arith.addi %add3A_1092, %iota3A : vector<16xi32>
      %rem3A_1094 = arith.constant 200 : i32
      %rem3A_1095 = vector.broadcast %rem3A_1094 : i32 to vector<16xi32>
      %rem3A_1096 = arith.remsi %add3A_1093, %rem3A_1095 : vector<16xi32>
      %mul3A_1097 = arith.constant 200 : i32
      %mul3A_1098 = vector.broadcast %mul3A_1097 : i32 to vector<16xi32>
      %mul3A_1099 = arith.muli %get3A_1087, %mul3A_1098 : vector<16xi32>
      %add3A_1100 = arith.addi %mul3A_1099, %rem3A_1096 : vector<16xi32>
      %swap3A_1101 = arith.index_cast %add3A_1083 : i32 to index
      %swap3A_1102 = arith.constant 0 : index
      %swap3A_1103 = tpu.vector_load %arg5[%swap3A_1101, %swap3A_1102] {strides = array<i32>} : memref<200x128xi32, #tpu.memory_space<vmem>>, vector<1x16xi32>,
      %swap3A_1104 = vector.shape_cast %swap3A_1103 : vector<1x16xi32> to vector<16xi32>
      %swap3A_1105 = vector.shape_cast %add3A_1100 : vector<16xi32> to vector<1x16xi32>
      tpu.vector_store %arg5[%swap3A_1101, %swap3A_1102], %swap3A_1105 {strides = array<i32>} : memref<200x128xi32, #tpu.memory_space<vmem>>, vector<1x16xi32>,
      %get3A_1106 = arith.index_cast %add3A_1083 : i32 to index
      %get3A_1107 = arith.constant 16 : index
      %get3A_1108 = tpu.vector_load %arg5[%get3A_1106, %get3A_1107] {strides = array<i32>} : memref<200x128xi32, #tpu.memory_space<vmem>>, vector<1x16xi32>,
      %get3A_1109 = vector.shape_cast %get3A_1108 : vector<1x16xi32> to vector<16xi32>
      %mul3A_1110 = arith.constant 128 : i32
      %mul3A_1111 = arith.muli %add3A_1083, %mul3A_1110 : i32
      %add3A_1112 = arith.constant 16 : i32
      %add3A_1113 = arith.addi %mul3A_1111, %add3A_1112 : i32
      %add3A_1114 = vector.broadcast %add3A_1113 : i32 to vector<16xi32>
      %add3A_1115 = arith.addi %add3A_1114, %iota3A : vector<16xi32>
      %rem3A_1116 = arith.constant 200 : i32
      %rem3A_1117 = vector.broadcast %rem3A_1116 : i32 to vector<16xi32>
      %rem3A_1118 = arith.remsi %add3A_1115, %rem3A_1117 : vector<16xi32>
      %mul3A_1119 = arith.constant 200 : i32
      %mul3A_1120 = vector.broadcast %mul3A_1119 : i32 to vector<16xi32>
      %mul3A_1121 = arith.muli %get3A_1109, %mul3A_1120 : vector<16xi32>
      %add3A_1122 = arith.addi %mul3A_1121, %rem3A_1118 : vector<16xi32>
      %swap3A_1123 = arith.index_cast %add3A_1083 : i32 to index
      %swap3A_1124 = arith.constant 16 : index
      %swap3A_1125 = tpu.vector_load %arg5[%swap3A_1123, %swap3A_1124] {strides = array<i32>} : memref<200x128xi32, #tpu.memory_space<vmem>>, vector<1x16xi32>,
      %swap3A_1126 = vector.shape_cast %swap3A_1125 : vector<1x16xi32> to vector<16xi32>
      %swap3A_1127 = vector.shape_cast %add3A_1122 : vector<16xi32> to vector<1x16xi32>
      tpu.vector_store %arg5[%swap3A_1123, %swap3A_1124], %swap3A_1127 {strides = array<i32>} : memref<200x128xi32, #tpu.memory_space<vmem>>, vector<1x16xi32>,
      %get3A_1128 = arith.index_cast %add3A_1083 : i32 to index
      %get3A_1129 = arith.constant 32 : index
      %get3A_1130 = tpu.vector_load %arg5[%get3A_1128, %get3A_1129] {strides = array<i32>} : memref<200x128xi32, #tpu.memory_space<vmem>>, vector<1x16xi32>,
      %get3A_1131 = vector.shape_cast %get3A_1130 : vector<1x16xi32> to vector<16xi32>
      %mul3A_1132 = arith.constant 128 : i32
      %mul3A_1133 = arith.muli %add3A_1083, %mul3A_1132 : i32
      %add3A_1134 = arith.constant 32 : i32
      %add3A_1135 = arith.addi %mul3A_1133, %add3A_1134 : i32
      %add3A_1136 = vector.broadcast %add3A_1135 : i32 to vector<16xi32>
      %add3A_1137 = arith.addi %add3A_1136, %iota3A : vector<16xi32>
      %rem3A_1138 = arith.constant 200 : i32
      %rem3A_1139 = vector.broadcast %rem3A_1138 : i32 to vector<16xi32>
      %rem3A_1140 = arith.remsi %add3A_1137, %rem3A_1139 : vector<16xi32>
      %mul3A_1141 = arith.constant 200 : i32
      %mul3A_1142 = vector.broadcast %mul3A_1141 : i32 to vector<16xi32>
      %mul3A_1143 = arith.muli %get3A_1131, %mul3A_1142 : vector<16xi32>
      %add3A_1144 = arith.addi %mul3A_1143, %rem3A_1140 : vector<16xi32>
      %swap3A_1145 = arith.index_cast %add3A_1083 : i32 to index
      %swap3A_1146 = arith.constant 32 : index
      %swap3A_1147 = tpu.vector_load %arg5[%swap3A_1145, %swap3A_1146] {strides = array<i32>} : memref<200x128xi32, #tpu.memory_space<vmem>>, vector<1x16xi32>,
      %swap3A_1148 = vector.shape_cast %swap3A_1147 : vector<1x16xi32> to vector<16xi32>
      %swap3A_1149 = vector.shape_cast %add3A_1144 : vector<16xi32> to vector<1x16xi32>
      tpu.vector_store %arg5[%swap3A_1145, %swap3A_1146], %swap3A_1149 {strides = array<i32>} : memref<200x128xi32, #tpu.memory_space<vmem>>, vector<1x16xi32>,
      %get3A_1150 = arith.index_cast %add3A_1083 : i32 to index
      %get3A_1151 = arith.constant 48 : index
      %get3A_1152 = tpu.vector_load %arg5[%get3A_1150, %get3A_1151] {strides = array<i32>} : memref<200x128xi32, #tpu.memory_space<vmem>>, vector<1x16xi32>,
      %get3A_1153 = vector.shape_cast %get3A_1152 : vector<1x16xi32> to vector<16xi32>
      %mul3A_1154 = arith.constant 128 : i32
      %mul3A_1155 = arith.muli %add3A_1083, %mul3A_1154 : i32
      %add3A_1156 = arith.constant 48 : i32
      %add3A_1157 = arith.addi %mul3A_1155, %add3A_1156 : i32
      %add3A_1158 = vector.broadcast %add3A_1157 : i32 to vector<16xi32>
      %add3A_1159 = arith.addi %add3A_1158, %iota3A : vector<16xi32>
      %rem3A_1160 = arith.constant 200 : i32
      %rem3A_1161 = vector.broadcast %rem3A_1160 : i32 to vector<16xi32>
      %rem3A_1162 = arith.remsi %add3A_1159, %rem3A_1161 : vector<16xi32>
      %mul3A_1163 = arith.constant 200 : i32
      %mul3A_1164 = vector.broadcast %mul3A_1163 : i32 to vector<16xi32>
      %mul3A_1165 = arith.muli %get3A_1153, %mul3A_1164 : vector<16xi32>
      %add3A_1166 = arith.addi %mul3A_1165, %rem3A_1162 : vector<16xi32>
      %swap3A_1167 = arith.index_cast %add3A_1083 : i32 to index
      %swap3A_1168 = arith.constant 48 : index
      %swap3A_1169 = tpu.vector_load %arg5[%swap3A_1167, %swap3A_1168] {strides = array<i32>} : memref<200x128xi32, #tpu.memory_space<vmem>>, vector<1x16xi32>,
      %swap3A_1170 = vector.shape_cast %swap3A_1169 : vector<1x16xi32> to vector<16xi32>
      %swap3A_1171 = vector.shape_cast %add3A_1166 : vector<16xi32> to vector<1x16xi32>
      tpu.vector_store %arg5[%swap3A_1167, %swap3A_1168], %swap3A_1171 {strides = array<i32>} : memref<200x128xi32, #tpu.memory_space<vmem>>, vector<1x16xi32>,
      %get3A_1172 = arith.index_cast %add3A_1083 : i32 to index
      %get3A_1173 = arith.constant 64 : index
      %get3A_1174 = tpu.vector_load %arg5[%get3A_1172, %get3A_1173] {strides = array<i32>} : memref<200x128xi32, #tpu.memory_space<vmem>>, vector<1x16xi32>,
      %get3A_1175 = vector.shape_cast %get3A_1174 : vector<1x16xi32> to vector<16xi32>
      %mul3A_1176 = arith.constant 128 : i32
      %mul3A_1177 = arith.muli %add3A_1083, %mul3A_1176 : i32
      %add3A_1178 = arith.constant 64 : i32
      %add3A_1179 = arith.addi %mul3A_1177, %add3A_1178 : i32
      %add3A_1180 = vector.broadcast %add3A_1179 : i32 to vector<16xi32>
      %add3A_1181 = arith.addi %add3A_1180, %iota3A : vector<16xi32>
      %rem3A_1182 = arith.constant 200 : i32
      %rem3A_1183 = vector.broadcast %rem3A_1182 : i32 to vector<16xi32>
      %rem3A_1184 = arith.remsi %add3A_1181, %rem3A_1183 : vector<16xi32>
      %mul3A_1185 = arith.constant 200 : i32
      %mul3A_1186 = vector.broadcast %mul3A_1185 : i32 to vector<16xi32>
      %mul3A_1187 = arith.muli %get3A_1175, %mul3A_1186 : vector<16xi32>
      %add3A_1188 = arith.addi %mul3A_1187, %rem3A_1184 : vector<16xi32>
      %swap3A_1189 = arith.index_cast %add3A_1083 : i32 to index
      %swap3A_1190 = arith.constant 64 : index
      %swap3A_1191 = tpu.vector_load %arg5[%swap3A_1189, %swap3A_1190] {strides = array<i32>} : memref<200x128xi32, #tpu.memory_space<vmem>>, vector<1x16xi32>,
      %swap3A_1192 = vector.shape_cast %swap3A_1191 : vector<1x16xi32> to vector<16xi32>
      %swap3A_1193 = vector.shape_cast %add3A_1188 : vector<16xi32> to vector<1x16xi32>
      tpu.vector_store %arg5[%swap3A_1189, %swap3A_1190], %swap3A_1193 {strides = array<i32>} : memref<200x128xi32, #tpu.memory_space<vmem>>, vector<1x16xi32>,
      %get3A_1194 = arith.index_cast %add3A_1083 : i32 to index
      %get3A_1195 = arith.constant 80 : index
      %get3A_1196 = tpu.vector_load %arg5[%get3A_1194, %get3A_1195] {strides = array<i32>} : memref<200x128xi32, #tpu.memory_space<vmem>>, vector<1x16xi32>,
      %get3A_1197 = vector.shape_cast %get3A_1196 : vector<1x16xi32> to vector<16xi32>
      %mul3A_1198 = arith.constant 128 : i32
      %mul3A_1199 = arith.muli %add3A_1083, %mul3A_1198 : i32
      %add3A_1200 = arith.constant 80 : i32
      %add3A_1201 = arith.addi %mul3A_1199, %add3A_1200 : i32
      %add3A_1202 = vector.broadcast %add3A_1201 : i32 to vector<16xi32>
      %add3A_1203 = arith.addi %add3A_1202, %iota3A : vector<16xi32>
      %rem3A_1204 = arith.constant 200 : i32
      %rem3A_1205 = vector.broadcast %rem3A_1204 : i32 to vector<16xi32>
      %rem3A_1206 = arith.remsi %add3A_1203, %rem3A_1205 : vector<16xi32>
      %mul3A_1207 = arith.constant 200 : i32
      %mul3A_1208 = vector.broadcast %mul3A_1207 : i32 to vector<16xi32>
      %mul3A_1209 = arith.muli %get3A_1197, %mul3A_1208 : vector<16xi32>
      %add3A_1210 = arith.addi %mul3A_1209, %rem3A_1206 : vector<16xi32>
      %swap3A_1211 = arith.index_cast %add3A_1083 : i32 to index
      %swap3A_1212 = arith.constant 80 : index
      %swap3A_1213 = tpu.vector_load %arg5[%swap3A_1211, %swap3A_1212] {strides = array<i32>} : memref<200x128xi32, #tpu.memory_space<vmem>>, vector<1x16xi32>,
      %swap3A_1214 = vector.shape_cast %swap3A_1213 : vector<1x16xi32> to vector<16xi32>
      %swap3A_1215 = vector.shape_cast %add3A_1210 : vector<16xi32> to vector<1x16xi32>
      tpu.vector_store %arg5[%swap3A_1211, %swap3A_1212], %swap3A_1215 {strides = array<i32>} : memref<200x128xi32, #tpu.memory_space<vmem>>, vector<1x16xi32>,
      %get3A_1216 = arith.index_cast %add3A_1083 : i32 to index
      %get3A_1217 = arith.constant 96 : index
      %get3A_1218 = tpu.vector_load %arg5[%get3A_1216, %get3A_1217] {strides = array<i32>} : memref<200x128xi32, #tpu.memory_space<vmem>>, vector<1x16xi32>,
      %get3A_1219 = vector.shape_cast %get3A_1218 : vector<1x16xi32> to vector<16xi32>
      %mul3A_1220 = arith.constant 128 : i32
      %mul3A_1221 = arith.muli %add3A_1083, %mul3A_1220 : i32
      %add3A_1222 = arith.constant 96 : i32
      %add3A_1223 = arith.addi %mul3A_1221, %add3A_1222 : i32
      %add3A_1224 = vector.broadcast %add3A_1223 : i32 to vector<16xi32>
      %add3A_1225 = arith.addi %add3A_1224, %iota3A : vector<16xi32>
      %rem3A_1226 = arith.constant 200 : i32
      %rem3A_1227 = vector.broadcast %rem3A_1226 : i32 to vector<16xi32>
      %rem3A_1228 = arith.remsi %add3A_1225, %rem3A_1227 : vector<16xi32>
      %mul3A_1229 = arith.constant 200 : i32
      %mul3A_1230 = vector.broadcast %mul3A_1229 : i32 to vector<16xi32>
      %mul3A_1231 = arith.muli %get3A_1219, %mul3A_1230 : vector<16xi32>
      %add3A_1232 = arith.addi %mul3A_1231, %rem3A_1228 : vector<16xi32>
      %swap3A_1233 = arith.index_cast %add3A_1083 : i32 to index
      %swap3A_1234 = arith.constant 96 : index
      %swap3A_1235 = tpu.vector_load %arg5[%swap3A_1233, %swap3A_1234] {strides = array<i32>} : memref<200x128xi32, #tpu.memory_space<vmem>>, vector<1x16xi32>,
      %swap3A_1236 = vector.shape_cast %swap3A_1235 : vector<1x16xi32> to vector<16xi32>
      %swap3A_1237 = vector.shape_cast %add3A_1232 : vector<16xi32> to vector<1x16xi32>
      tpu.vector_store %arg5[%swap3A_1233, %swap3A_1234], %swap3A_1237 {strides = array<i32>} : memref<200x128xi32, #tpu.memory_space<vmem>>, vector<1x16xi32>,
      %get3A_1238 = arith.index_cast %add3A_1083 : i32 to index
      %get3A_1239 = arith.constant 112 : index
      %get3A_1240 = tpu.vector_load %arg5[%get3A_1238, %get3A_1239] {strides = array<i32>} : memref<200x128xi32, #tpu.memory_space<vmem>>, vector<1x16xi32>,
      %get3A_1241 = vector.shape_cast %get3A_1240 : vector<1x16xi32> to vector<16xi32>
      %mul3A_1242 = arith.constant 128 : i32
      %mul3A_1243 = arith.muli %add3A_1083, %mul3A_1242 : i32
      %add3A_1244 = arith.constant 112 : i32
      %add3A_1245 = arith.addi %mul3A_1243, %add3A_1244 : i32
      %add3A_1246 = vector.broadcast %add3A_1245 : i32 to vector<16xi32>
      %add3A_1247 = arith.addi %add3A_1246, %iota3A : vector<16xi32>
      %rem3A_1248 = arith.constant 200 : i32
      %rem3A_1249 = vector.broadcast %rem3A_1248 : i32 to vector<16xi32>
      %rem3A_1250 = arith.remsi %add3A_1247, %rem3A_1249 : vector<16xi32>
      %mul3A_1251 = arith.constant 200 : i32
      %mul3A_1252 = vector.broadcast %mul3A_1251 : i32 to vector<16xi32>
      %mul3A_1253 = arith.muli %get3A_1241, %mul3A_1252 : vector<16xi32>
      %add3A_1254 = arith.addi %mul3A_1253, %rem3A_1250 : vector<16xi32>
      %swap3A_1255 = arith.index_cast %add3A_1083 : i32 to index
      %swap3A_1256 = arith.constant 112 : index
      %swap3A_1257 = tpu.vector_load %arg5[%swap3A_1255, %swap3A_1256] {strides = array<i32>} : memref<200x128xi32, #tpu.memory_space<vmem>>, vector<1x16xi32>,
      %swap3A_1258 = vector.shape_cast %swap3A_1257 : vector<1x16xi32> to vector<16xi32>
      %swap3A_1259 = vector.shape_cast %add3A_1254 : vector<16xi32> to vector<1x16xi32>
      tpu.vector_store %arg5[%swap3A_1255, %swap3A_1256], %swap3A_1259 {strides = array<i32>} : memref<200x128xi32, #tpu.memory_space<vmem>>, vector<1x16xi32>,
      %dma_start3A_1260 = arith.constant 0 : i32
      %dma_start3A_1261 = tpu.memref_slice %arg5[%add3A_1083, %dma_start3A_1260] : memref<200x128xi32, #tpu.memory_space<vmem>> -> memref<1x128xi32, #tpu.memory_space<vmem>>
      %dma_start3A_1262 = tpu.memref_squeeze %dma_start3A_1261 : memref<1x128xi32, #tpu.memory_space<vmem>> -> memref<128xi32, #tpu.memory_space<vmem>>
      %dma_start3A_1263 = arith.constant 0 : i32
      %dma_start3A_1264 = arith.constant 0 : i32
      %dma_start3A_1265 = tpu.memref_slice %arg2[%dma_start3A_1263, %dma_start3A_1264] : memref<25600x128xf32, #tpu.memory_space<hbm>> -> memref<25600x128xf32, #tpu.memory_space<hbm>>
      tpu.enqueue_indirect_dma source(%dma_start3A_1265 : memref<25600x128xf32, #tpu.memory_space<hbm>>) target(%arg7 : memref<128x128xf32, #tpu.memory_space<vmem>>) offsets(%dma_start3A_1262 : memref<128xi32, #tpu.memory_space<vmem>>) semaphore(%arg11 : memref<!tpu.dma_semaphore, #tpu.memory_space<semaphore_mem>>)
      %mul3A_1266 = arith.constant 4 : i32
      %mul3A_1267 = arith.muli %scan3A_801, %mul3A_1266 : i32
      %add3A_1268 = arith.constant 2 : i32
      %add3A_1269 = arith.addi %mul3A_1267, %add3A_1268 : i32
      %dma_wait3A_1270 = arith.constant 0 : i32
      %dma_wait3A_1271 = arith.constant 0 : i32
      %dma_wait3A_1272 = tpu.memref_slice %arg4[%add3A, %add3A_1269, %dma_wait3A_1270, %dma_wait3A_1271] : memref<32x200x128x128xf32, #tpu.memory_space<hbm>> -> memref<1x1x128x128xf32, #tpu.memory_space<hbm>>
      %dma_wait3A_1273 = tpu.memref_squeeze %dma_wait3A_1272 : memref<1x1x128x128xf32, #tpu.memory_space<hbm>> -> memref<128x128xf32, #tpu.memory_space<hbm>>
      %dma_wait3A_1274 = arith.constant 0 : i32
      %dma_wait3A_1275 = arith.constant 0 : i32
      %dma_wait3A_1276 = tpu.memref_slice %arg4[%add3A, %add3A_1269, %dma_wait3A_1274, %dma_wait3A_1275] : memref<32x200x128x128xf32, #tpu.memory_space<hbm>> -> memref<1x1x128x128xf32, #tpu.memory_space<hbm>>
      %dma_wait3A_1277 = tpu.memref_squeeze %dma_wait3A_1276 : memref<1x1x128x128xf32, #tpu.memory_space<hbm>> -> memref<128x128xf32, #tpu.memory_space<hbm>>
      tpu.wait_dma2 semaphore(%arg16 : memref<!tpu.dma_semaphore, #tpu.memory_space<semaphore_mem>>) src(%arg8 : memref<128x128xf32, #tpu.memory_space<vmem>>) dst(%dma_wait3A_1277 : memref<128x128xf32, #tpu.memory_space<hbm>>)
      %add3A_1278 = arith.constant 4 : i32
      %add3A_1279 = arith.addi %add3A_1269, %add3A_1278 : i32
      %get3A_1280 = arith.index_cast %add3A_1279 : i32 to index
      %get3A_1281 = arith.constant 0 : index
      %get3A_1282 = tpu.vector_load %arg5[%get3A_1280, %get3A_1281] {strides = array<i32>} : memref<200x128xi32, #tpu.memory_space<vmem>>, vector<1x16xi32>,
      %get3A_1283 = vector.shape_cast %get3A_1282 : vector<1x16xi32> to vector<16xi32>
      %mul3A_1284 = arith.constant 128 : i32
      %mul3A_1285 = arith.muli %add3A_1279, %mul3A_1284 : i32
      %add3A_1286 = arith.constant 0 : i32
      %add3A_1287 = arith.addi %mul3A_1285, %add3A_1286 : i32
      %add3A_1288 = vector.broadcast %add3A_1287 : i32 to vector<16xi32>
      %add3A_1289 = arith.addi %add3A_1288, %iota3A : vector<16xi32>
      %rem3A_1290 = arith.constant 200 : i32
      %rem3A_1291 = vector.broadcast %rem3A_1290 : i32 to vector<16xi32>
      %rem3A_1292 = arith.remsi %add3A_1289, %rem3A_1291 : vector<16xi32>
      %mul3A_1293 = arith.constant 200 : i32
      %mul3A_1294 = vector.broadcast %mul3A_1293 : i32 to vector<16xi32>
      %mul3A_1295 = arith.muli %get3A_1283, %mul3A_1294 : vector<16xi32>
      %add3A_1296 = arith.addi %mul3A_1295, %rem3A_1292 : vector<16xi32>
      %swap3A_1297 = arith.index_cast %add3A_1279 : i32 to index
      %swap3A_1298 = arith.constant 0 : index
      %swap3A_1299 = tpu.vector_load %arg5[%swap3A_1297, %swap3A_1298] {strides = array<i32>} : memref<200x128xi32, #tpu.memory_space<vmem>>, vector<1x16xi32>,
      %swap3A_1300 = vector.shape_cast %swap3A_1299 : vector<1x16xi32> to vector<16xi32>
      %swap3A_1301 = vector.shape_cast %add3A_1296 : vector<16xi32> to vector<1x16xi32>
      tpu.vector_store %arg5[%swap3A_1297, %swap3A_1298], %swap3A_1301 {strides = array<i32>} : memref<200x128xi32, #tpu.memory_space<vmem>>, vector<1x16xi32>,
      %get3A_1302 = arith.index_cast %add3A_1279 : i32 to index
      %get3A_1303 = arith.constant 16 : index
      %get3A_1304 = tpu.vector_load %arg5[%get3A_1302, %get3A_1303] {strides = array<i32>} : memref<200x128xi32, #tpu.memory_space<vmem>>, vector<1x16xi32>,
      %get3A_1305 = vector.shape_cast %get3A_1304 : vector<1x16xi32> to vector<16xi32>
      %mul3A_1306 = arith.constant 128 : i32
      %mul3A_1307 = arith.muli %add3A_1279, %mul3A_1306 : i32
      %add3A_1308 = arith.constant 16 : i32
      %add3A_1309 = arith.addi %mul3A_1307, %add3A_1308 : i32
      %add3A_1310 = vector.broadcast %add3A_1309 : i32 to vector<16xi32>
      %add3A_1311 = arith.addi %add3A_1310, %iota3A : vector<16xi32>
      %rem3A_1312 = arith.constant 200 : i32
      %rem3A_1313 = vector.broadcast %rem3A_1312 : i32 to vector<16xi32>
      %rem3A_1314 = arith.remsi %add3A_1311, %rem3A_1313 : vector<16xi32>
      %mul3A_1315 = arith.constant 200 : i32
      %mul3A_1316 = vector.broadcast %mul3A_1315 : i32 to vector<16xi32>
      %mul3A_1317 = arith.muli %get3A_1305, %mul3A_1316 : vector<16xi32>
      %add3A_1318 = arith.addi %mul3A_1317, %rem3A_1314 : vector<16xi32>
      %swap3A_1319 = arith.index_cast %add3A_1279 : i32 to index
      %swap3A_1320 = arith.constant 16 : index
      %swap3A_1321 = tpu.vector_load %arg5[%swap3A_1319, %swap3A_1320] {strides = array<i32>} : memref<200x128xi32, #tpu.memory_space<vmem>>, vector<1x16xi32>,
      %swap3A_1322 = vector.shape_cast %swap3A_1321 : vector<1x16xi32> to vector<16xi32>
      %swap3A_1323 = vector.shape_cast %add3A_1318 : vector<16xi32> to vector<1x16xi32>
      tpu.vector_store %arg5[%swap3A_1319, %swap3A_1320], %swap3A_1323 {strides = array<i32>} : memref<200x128xi32, #tpu.memory_space<vmem>>, vector<1x16xi32>,
      %get3A_1324 = arith.index_cast %add3A_1279 : i32 to index
      %get3A_1325 = arith.constant 32 : index
      %get3A_1326 = tpu.vector_load %arg5[%get3A_1324, %get3A_1325] {strides = array<i32>} : memref<200x128xi32, #tpu.memory_space<vmem>>, vector<1x16xi32>,
      %get3A_1327 = vector.shape_cast %get3A_1326 : vector<1x16xi32> to vector<16xi32>
      %mul3A_1328 = arith.constant 128 : i32
      %mul3A_1329 = arith.muli %add3A_1279, %mul3A_1328 : i32
      %add3A_1330 = arith.constant 32 : i32
      %add3A_1331 = arith.addi %mul3A_1329, %add3A_1330 : i32
      %add3A_1332 = vector.broadcast %add3A_1331 : i32 to vector<16xi32>
      %add3A_1333 = arith.addi %add3A_1332, %iota3A : vector<16xi32>
      %rem3A_1334 = arith.constant 200 : i32
      %rem3A_1335 = vector.broadcast %rem3A_1334 : i32 to vector<16xi32>
      %rem3A_1336 = arith.remsi %add3A_1333, %rem3A_1335 : vector<16xi32>
      %mul3A_1337 = arith.constant 200 : i32
      %mul3A_1338 = vector.broadcast %mul3A_1337 : i32 to vector<16xi32>
      %mul3A_1339 = arith.muli %get3A_1327, %mul3A_1338 : vector<16xi32>
      %add3A_1340 = arith.addi %mul3A_1339, %rem3A_1336 : vector<16xi32>
      %swap3A_1341 = arith.index_cast %add3A_1279 : i32 to index
      %swap3A_1342 = arith.constant 32 : index
      %swap3A_1343 = tpu.vector_load %arg5[%swap3A_1341, %swap3A_1342] {strides = array<i32>} : memref<200x128xi32, #tpu.memory_space<vmem>>, vector<1x16xi32>,
      %swap3A_1344 = vector.shape_cast %swap3A_1343 : vector<1x16xi32> to vector<16xi32>
      %swap3A_1345 = vector.shape_cast %add3A_1340 : vector<16xi32> to vector<1x16xi32>
      tpu.vector_store %arg5[%swap3A_1341, %swap3A_1342], %swap3A_1345 {strides = array<i32>} : memref<200x128xi32, #tpu.memory_space<vmem>>, vector<1x16xi32>,
      %get3A_1346 = arith.index_cast %add3A_1279 : i32 to index
      %get3A_1347 = arith.constant 48 : index
      %get3A_1348 = tpu.vector_load %arg5[%get3A_1346, %get3A_1347] {strides = array<i32>} : memref<200x128xi32, #tpu.memory_space<vmem>>, vector<1x16xi32>,
      %get3A_1349 = vector.shape_cast %get3A_1348 : vector<1x16xi32> to vector<16xi32>
      %mul3A_1350 = arith.constant 128 : i32
      %mul3A_1351 = arith.muli %add3A_1279, %mul3A_1350 : i32
      %add3A_1352 = arith.constant 48 : i32
      %add3A_1353 = arith.addi %mul3A_1351, %add3A_1352 : i32
      %add3A_1354 = vector.broadcast %add3A_1353 : i32 to vector<16xi32>
      %add3A_1355 = arith.addi %add3A_1354, %iota3A : vector<16xi32>
      %rem3A_1356 = arith.constant 200 : i32
      %rem3A_1357 = vector.broadcast %rem3A_1356 : i32 to vector<16xi32>
      %rem3A_1358 = arith.remsi %add3A_1355, %rem3A_1357 : vector<16xi32>
      %mul3A_1359 = arith.constant 200 : i32
      %mul3A_1360 = vector.broadcast %mul3A_1359 : i32 to vector<16xi32>
      %mul3A_1361 = arith.muli %get3A_1349, %mul3A_1360 : vector<16xi32>
      %add3A_1362 = arith.addi %mul3A_1361, %rem3A_1358 : vector<16xi32>
      %swap3A_1363 = arith.index_cast %add3A_1279 : i32 to index
      %swap3A_1364 = arith.constant 48 : index
      %swap3A_1365 = tpu.vector_load %arg5[%swap3A_1363, %swap3A_1364] {strides = array<i32>} : memref<200x128xi32, #tpu.memory_space<vmem>>, vector<1x16xi32>,
      %swap3A_1366 = vector.shape_cast %swap3A_1365 : vector<1x16xi32> to vector<16xi32>
      %swap3A_1367 = vector.shape_cast %add3A_1362 : vector<16xi32> to vector<1x16xi32>
      tpu.vector_store %arg5[%swap3A_1363, %swap3A_1364], %swap3A_1367 {strides = array<i32>} : memref<200x128xi32, #tpu.memory_space<vmem>>, vector<1x16xi32>,
      %get3A_1368 = arith.index_cast %add3A_1279 : i32 to index
      %get3A_1369 = arith.constant 64 : index
      %get3A_1370 = tpu.vector_load %arg5[%get3A_1368, %get3A_1369] {strides = array<i32>} : memref<200x128xi32, #tpu.memory_space<vmem>>, vector<1x16xi32>,
      %get3A_1371 = vector.shape_cast %get3A_1370 : vector<1x16xi32> to vector<16xi32>
      %mul3A_1372 = arith.constant 128 : i32
      %mul3A_1373 = arith.muli %add3A_1279, %mul3A_1372 : i32
      %add3A_1374 = arith.constant 64 : i32
      %add3A_1375 = arith.addi %mul3A_1373, %add3A_1374 : i32
      %add3A_1376 = vector.broadcast %add3A_1375 : i32 to vector<16xi32>
      %add3A_1377 = arith.addi %add3A_1376, %iota3A : vector<16xi32>
      %rem3A_1378 = arith.constant 200 : i32
      %rem3A_1379 = vector.broadcast %rem3A_1378 : i32 to vector<16xi32>
      %rem3A_1380 = arith.remsi %add3A_1377, %rem3A_1379 : vector<16xi32>
      %mul3A_1381 = arith.constant 200 : i32
      %mul3A_1382 = vector.broadcast %mul3A_1381 : i32 to vector<16xi32>
      %mul3A_1383 = arith.muli %get3A_1371, %mul3A_1382 : vector<16xi32>
      %add3A_1384 = arith.addi %mul3A_1383, %rem3A_1380 : vector<16xi32>
      %swap3A_1385 = arith.index_cast %add3A_1279 : i32 to index
      %swap3A_1386 = arith.constant 64 : index
      %swap3A_1387 = tpu.vector_load %arg5[%swap3A_1385, %swap3A_1386] {strides = array<i32>} : memref<200x128xi32, #tpu.memory_space<vmem>>, vector<1x16xi32>,
      %swap3A_1388 = vector.shape_cast %swap3A_1387 : vector<1x16xi32> to vector<16xi32>
      %swap3A_1389 = vector.shape_cast %add3A_1384 : vector<16xi32> to vector<1x16xi32>
      tpu.vector_store %arg5[%swap3A_1385, %swap3A_1386], %swap3A_1389 {strides = array<i32>} : memref<200x128xi32, #tpu.memory_space<vmem>>, vector<1x16xi32>,
      %get3A_1390 = arith.index_cast %add3A_1279 : i32 to index
      %get3A_1391 = arith.constant 80 : index
      %get3A_1392 = tpu.vector_load %arg5[%get3A_1390, %get3A_1391] {strides = array<i32>} : memref<200x128xi32, #tpu.memory_space<vmem>>, vector<1x16xi32>,
      %get3A_1393 = vector.shape_cast %get3A_1392 : vector<1x16xi32> to vector<16xi32>
      %mul3A_1394 = arith.constant 128 : i32
      %mul3A_1395 = arith.muli %add3A_1279, %mul3A_1394 : i32
      %add3A_1396 = arith.constant 80 : i32
      %add3A_1397 = arith.addi %mul3A_1395, %add3A_1396 : i32
      %add3A_1398 = vector.broadcast %add3A_1397 : i32 to vector<16xi32>
      %add3A_1399 = arith.addi %add3A_1398, %iota3A : vector<16xi32>
      %rem3A_1400 = arith.constant 200 : i32
      %rem3A_1401 = vector.broadcast %rem3A_1400 : i32 to vector<16xi32>
      %rem3A_1402 = arith.remsi %add3A_1399, %rem3A_1401 : vector<16xi32>
      %mul3A_1403 = arith.constant 200 : i32
      %mul3A_1404 = vector.broadcast %mul3A_1403 : i32 to vector<16xi32>
      %mul3A_1405 = arith.muli %get3A_1393, %mul3A_1404 : vector<16xi32>
      %add3A_1406 = arith.addi %mul3A_1405, %rem3A_1402 : vector<16xi32>
      %swap3A_1407 = arith.index_cast %add3A_1279 : i32 to index
      %swap3A_1408 = arith.constant 80 : index
      %swap3A_1409 = tpu.vector_load %arg5[%swap3A_1407, %swap3A_1408] {strides = array<i32>} : memref<200x128xi32, #tpu.memory_space<vmem>>, vector<1x16xi32>,
      %swap3A_1410 = vector.shape_cast %swap3A_1409 : vector<1x16xi32> to vector<16xi32>
      %swap3A_1411 = vector.shape_cast %add3A_1406 : vector<16xi32> to vector<1x16xi32>
      tpu.vector_store %arg5[%swap3A_1407, %swap3A_1408], %swap3A_1411 {strides = array<i32>} : memref<200x128xi32, #tpu.memory_space<vmem>>, vector<1x16xi32>,
      %get3A_1412 = arith.index_cast %add3A_1279 : i32 to index
      %get3A_1413 = arith.constant 96 : index
      %get3A_1414 = tpu.vector_load %arg5[%get3A_1412, %get3A_1413] {strides = array<i32>} : memref<200x128xi32, #tpu.memory_space<vmem>>, vector<1x16xi32>,
      %get3A_1415 = vector.shape_cast %get3A_1414 : vector<1x16xi32> to vector<16xi32>
      %mul3A_1416 = arith.constant 128 : i32
      %mul3A_1417 = arith.muli %add3A_1279, %mul3A_1416 : i32
      %add3A_1418 = arith.constant 96 : i32
      %add3A_1419 = arith.addi %mul3A_1417, %add3A_1418 : i32
      %add3A_1420 = vector.broadcast %add3A_1419 : i32 to vector<16xi32>
      %add3A_1421 = arith.addi %add3A_1420, %iota3A : vector<16xi32>
      %rem3A_1422 = arith.constant 200 : i32
      %rem3A_1423 = vector.broadcast %rem3A_1422 : i32 to vector<16xi32>
      %rem3A_1424 = arith.remsi %add3A_1421, %rem3A_1423 : vector<16xi32>
      %mul3A_1425 = arith.constant 200 : i32
      %mul3A_1426 = vector.broadcast %mul3A_1425 : i32 to vector<16xi32>
      %mul3A_1427 = arith.muli %get3A_1415, %mul3A_1426 : vector<16xi32>
      %add3A_1428 = arith.addi %mul3A_1427, %rem3A_1424 : vector<16xi32>
      %swap3A_1429 = arith.index_cast %add3A_1279 : i32 to index
      %swap3A_1430 = arith.constant 96 : index
      %swap3A_1431 = tpu.vector_load %arg5[%swap3A_1429, %swap3A_1430] {strides = array<i32>} : memref<200x128xi32, #tpu.memory_space<vmem>>, vector<1x16xi32>,
      %swap3A_1432 = vector.shape_cast %swap3A_1431 : vector<1x16xi32> to vector<16xi32>
      %swap3A_1433 = vector.shape_cast %add3A_1428 : vector<16xi32> to vector<1x16xi32>
      tpu.vector_store %arg5[%swap3A_1429, %swap3A_1430], %swap3A_1433 {strides = array<i32>} : memref<200x128xi32, #tpu.memory_space<vmem>>, vector<1x16xi32>,
      %get3A_1434 = arith.index_cast %add3A_1279 : i32 to index
      %get3A_1435 = arith.constant 112 : index
      %get3A_1436 = tpu.vector_load %arg5[%get3A_1434, %get3A_1435] {strides = array<i32>} : memref<200x128xi32, #tpu.memory_space<vmem>>, vector<1x16xi32>,
      %get3A_1437 = vector.shape_cast %get3A_1436 : vector<1x16xi32> to vector<16xi32>
      %mul3A_1438 = arith.constant 128 : i32
      %mul3A_1439 = arith.muli %add3A_1279, %mul3A_1438 : i32
      %add3A_1440 = arith.constant 112 : i32
      %add3A_1441 = arith.addi %mul3A_1439, %add3A_1440 : i32
      %add3A_1442 = vector.broadcast %add3A_1441 : i32 to vector<16xi32>
      %add3A_1443 = arith.addi %add3A_1442, %iota3A : vector<16xi32>
      %rem3A_1444 = arith.constant 200 : i32
      %rem3A_1445 = vector.broadcast %rem3A_1444 : i32 to vector<16xi32>
      %rem3A_1446 = arith.remsi %add3A_1443, %rem3A_1445 : vector<16xi32>
      %mul3A_1447 = arith.constant 200 : i32
      %mul3A_1448 = vector.broadcast %mul3A_1447 : i32 to vector<16xi32>
      %mul3A_1449 = arith.muli %get3A_1437, %mul3A_1448 : vector<16xi32>
      %add3A_1450 = arith.addi %mul3A_1449, %rem3A_1446 : vector<16xi32>
      %swap3A_1451 = arith.index_cast %add3A_1279 : i32 to index
      %swap3A_1452 = arith.constant 112 : index
      %swap3A_1453 = tpu.vector_load %arg5[%swap3A_1451, %swap3A_1452] {strides = array<i32>} : memref<200x128xi32, #tpu.memory_space<vmem>>, vector<1x16xi32>,
      %swap3A_1454 = vector.shape_cast %swap3A_1453 : vector<1x16xi32> to vector<16xi32>
      %swap3A_1455 = vector.shape_cast %add3A_1450 : vector<16xi32> to vector<1x16xi32>
      tpu.vector_store %arg5[%swap3A_1451, %swap3A_1452], %swap3A_1455 {strides = array<i32>} : memref<200x128xi32, #tpu.memory_space<vmem>>, vector<1x16xi32>,
      %dma_start3A_1456 = arith.constant 0 : i32
      %dma_start3A_1457 = tpu.memref_slice %arg5[%add3A_1279, %dma_start3A_1456] : memref<200x128xi32, #tpu.memory_space<vmem>> -> memref<1x128xi32, #tpu.memory_space<vmem>>
      %dma_start3A_1458 = tpu.memref_squeeze %dma_start3A_1457 : memref<1x128xi32, #tpu.memory_space<vmem>> -> memref<128xi32, #tpu.memory_space<vmem>>
      %dma_start3A_1459 = arith.constant 0 : i32
      %dma_start3A_1460 = arith.constant 0 : i32
      %dma_start3A_1461 = tpu.memref_slice %arg2[%dma_start3A_1459, %dma_start3A_1460] : memref<25600x128xf32, #tpu.memory_space<hbm>> -> memref<25600x128xf32, #tpu.memory_space<hbm>>
      tpu.enqueue_indirect_dma source(%dma_start3A_1461 : memref<25600x128xf32, #tpu.memory_space<hbm>>) target(%arg8 : memref<128x128xf32, #tpu.memory_space<vmem>>) offsets(%dma_start3A_1458 : memref<128xi32, #tpu.memory_space<vmem>>) semaphore(%arg12 : memref<!tpu.dma_semaphore, #tpu.memory_space<semaphore_mem>>)
      %mul3A_1462 = arith.constant 4 : i32
      %mul3A_1463 = arith.muli %scan3A_801, %mul3A_1462 : i32
      %add3A_1464 = arith.constant 3 : i32
      %add3A_1465 = arith.addi %mul3A_1463, %add3A_1464 : i32
      %dma_wait3A_1466 = arith.constant 0 : i32
      %dma_wait3A_1467 = arith.constant 0 : i32
      %dma_wait3A_1468 = tpu.memref_slice %arg4[%add3A, %add3A_1465, %dma_wait3A_1466, %dma_wait3A_1467] : memref<32x200x128x128xf32, #tpu.memory_space<hbm>> -> memref<1x1x128x128xf32, #tpu.memory_space<hbm>>
      %dma_wait3A_1469 = tpu.memref_squeeze %dma_wait3A_1468 : memref<1x1x128x128xf32, #tpu.memory_space<hbm>> -> memref<128x128xf32, #tpu.memory_space<hbm>>
      %dma_wait3A_1470 = arith.constant 0 : i32
      %dma_wait3A_1471 = arith.constant 0 : i32
      %dma_wait3A_1472 = tpu.memref_slice %arg4[%add3A, %add3A_1465, %dma_wait3A_1470, %dma_wait3A_1471] : memref<32x200x128x128xf32, #tpu.memory_space<hbm>> -> memref<1x1x128x128xf32, #tpu.memory_space<hbm>>
      %dma_wait3A_1473 = tpu.memref_squeeze %dma_wait3A_1472 : memref<1x1x128x128xf32, #tpu.memory_space<hbm>> -> memref<128x128xf32, #tpu.memory_space<hbm>>
      tpu.wait_dma2 semaphore(%arg17 : memref<!tpu.dma_semaphore, #tpu.memory_space<semaphore_mem>>) src(%arg9 : memref<128x128xf32, #tpu.memory_space<vmem>>) dst(%dma_wait3A_1473 : memref<128x128xf32, #tpu.memory_space<hbm>>)
      %add3A_1474 = arith.constant 4 : i32
      %add3A_1475 = arith.addi %add3A_1465, %add3A_1474 : i32
      %get3A_1476 = arith.index_cast %add3A_1475 : i32 to index
      %get3A_1477 = arith.constant 0 : index
      %get3A_1478 = tpu.vector_load %arg5[%get3A_1476, %get3A_1477] {strides = array<i32>} : memref<200x128xi32, #tpu.memory_space<vmem>>, vector<1x16xi32>,
      %get3A_1479 = vector.shape_cast %get3A_1478 : vector<1x16xi32> to vector<16xi32>
      %mul3A_1480 = arith.constant 128 : i32
      %mul3A_1481 = arith.muli %add3A_1475, %mul3A_1480 : i32
      %add3A_1482 = arith.constant 0 : i32
      %add3A_1483 = arith.addi %mul3A_1481, %add3A_1482 : i32
      %add3A_1484 = vector.broadcast %add3A_1483 : i32 to vector<16xi32>
      %add3A_1485 = arith.addi %add3A_1484, %iota3A : vector<16xi32>
      %rem3A_1486 = arith.constant 200 : i32
      %rem3A_1487 = vector.broadcast %rem3A_1486 : i32 to vector<16xi32>
      %rem3A_1488 = arith.remsi %add3A_1485, %rem3A_1487 : vector<16xi32>
      %mul3A_1489 = arith.constant 200 : i32
      %mul3A_1490 = vector.broadcast %mul3A_1489 : i32 to vector<16xi32>
      %mul3A_1491 = arith.muli %get3A_1479, %mul3A_1490 : vector<16xi32>
      %add3A_1492 = arith.addi %mul3A_1491, %rem3A_1488 : vector<16xi32>
      %swap3A_1493 = arith.index_cast %add3A_1475 : i32 to index
      %swap3A_1494 = arith.constant 0 : index
      %swap3A_1495 = tpu.vector_load %arg5[%swap3A_1493, %swap3A_1494] {strides = array<i32>} : memref<200x128xi32, #tpu.memory_space<vmem>>, vector<1x16xi32>,
      %swap3A_1496 = vector.shape_cast %swap3A_1495 : vector<1x16xi32> to vector<16xi32>
      %swap3A_1497 = vector.shape_cast %add3A_1492 : vector<16xi32> to vector<1x16xi32>
      tpu.vector_store %arg5[%swap3A_1493, %swap3A_1494], %swap3A_1497 {strides = array<i32>} : memref<200x128xi32, #tpu.memory_space<vmem>>, vector<1x16xi32>,
      %get3A_1498 = arith.index_cast %add3A_1475 : i32 to index
      %get3A_1499 = arith.constant 16 : index
      %get3A_1500 = tpu.vector_load %arg5[%get3A_1498, %get3A_1499] {strides = array<i32>} : memref<200x128xi32, #tpu.memory_space<vmem>>, vector<1x16xi32>,
      %get3A_1501 = vector.shape_cast %get3A_1500 : vector<1x16xi32> to vector<16xi32>
      %mul3A_1502 = arith.constant 128 : i32
      %mul3A_1503 = arith.muli %add3A_1475, %mul3A_1502 : i32
      %add3A_1504 = arith.constant 16 : i32
      %add3A_1505 = arith.addi %mul3A_1503, %add3A_1504 : i32
      %add3A_1506 = vector.broadcast %add3A_1505 : i32 to vector<16xi32>
      %add3A_1507 = arith.addi %add3A_1506, %iota3A : vector<16xi32>
      %rem3A_1508 = arith.constant 200 : i32
      %rem3A_1509 = vector.broadcast %rem3A_1508 : i32 to vector<16xi32>
      %rem3A_1510 = arith.remsi %add3A_1507, %rem3A_1509 : vector<16xi32>
      %mul3A_1511 = arith.constant 200 : i32
      %mul3A_1512 = vector.broadcast %mul3A_1511 : i32 to vector<16xi32>
      %mul3A_1513 = arith.muli %get3A_1501, %mul3A_1512 : vector<16xi32>
      %add3A_1514 = arith.addi %mul3A_1513, %rem3A_1510 : vector<16xi32>
      %swap3A_1515 = arith.index_cast %add3A_1475 : i32 to index
      %swap3A_1516 = arith.constant 16 : index
      %swap3A_1517 = tpu.vector_load %arg5[%swap3A_1515, %swap3A_1516] {strides = array<i32>} : memref<200x128xi32, #tpu.memory_space<vmem>>, vector<1x16xi32>,
      %swap3A_1518 = vector.shape_cast %swap3A_1517 : vector<1x16xi32> to vector<16xi32>
      %swap3A_1519 = vector.shape_cast %add3A_1514 : vector<16xi32> to vector<1x16xi32>
      tpu.vector_store %arg5[%swap3A_1515, %swap3A_1516], %swap3A_1519 {strides = array<i32>} : memref<200x128xi32, #tpu.memory_space<vmem>>, vector<1x16xi32>,
      %get3A_1520 = arith.index_cast %add3A_1475 : i32 to index
      %get3A_1521 = arith.constant 32 : index
      %get3A_1522 = tpu.vector_load %arg5[%get3A_1520, %get3A_1521] {strides = array<i32>} : memref<200x128xi32, #tpu.memory_space<vmem>>, vector<1x16xi32>,
      %get3A_1523 = vector.shape_cast %get3A_1522 : vector<1x16xi32> to vector<16xi32>
      %mul3A_1524 = arith.constant 128 : i32
      %mul3A_1525 = arith.muli %add3A_1475, %mul3A_1524 : i32
      %add3A_1526 = arith.constant 32 : i32
      %add3A_1527 = arith.addi %mul3A_1525, %add3A_1526 : i32
      %add3A_1528 = vector.broadcast %add3A_1527 : i32 to vector<16xi32>
      %add3A_1529 = arith.addi %add3A_1528, %iota3A : vector<16xi32>
      %rem3A_1530 = arith.constant 200 : i32
      %rem3A_1531 = vector.broadcast %rem3A_1530 : i32 to vector<16xi32>
      %rem3A_1532 = arith.remsi %add3A_1529, %rem3A_1531 : vector<16xi32>
      %mul3A_1533 = arith.constant 200 : i32
      %mul3A_1534 = vector.broadcast %mul3A_1533 : i32 to vector<16xi32>
      %mul3A_1535 = arith.muli %get3A_1523, %mul3A_1534 : vector<16xi32>
      %add3A_1536 = arith.addi %mul3A_1535, %rem3A_1532 : vector<16xi32>
      %swap3A_1537 = arith.index_cast %add3A_1475 : i32 to index
      %swap3A_1538 = arith.constant 32 : index
      %swap3A_1539 = tpu.vector_load %arg5[%swap3A_1537, %swap3A_1538] {strides = array<i32>} : memref<200x128xi32, #tpu.memory_space<vmem>>, vector<1x16xi32>,
      %swap3A_1540 = vector.shape_cast %swap3A_1539 : vector<1x16xi32> to vector<16xi32>
      %swap3A_1541 = vector.shape_cast %add3A_1536 : vector<16xi32> to vector<1x16xi32>
      tpu.vector_store %arg5[%swap3A_1537, %swap3A_1538], %swap3A_1541 {strides = array<i32>} : memref<200x128xi32, #tpu.memory_space<vmem>>, vector<1x16xi32>,
      %get3A_1542 = arith.index_cast %add3A_1475 : i32 to index
      %get3A_1543 = arith.constant 48 : index
      %get3A_1544 = tpu.vector_load %arg5[%get3A_1542, %get3A_1543] {strides = array<i32>} : memref<200x128xi32, #tpu.memory_space<vmem>>, vector<1x16xi32>,
      %get3A_1545 = vector.shape_cast %get3A_1544 : vector<1x16xi32> to vector<16xi32>
      %mul3A_1546 = arith.constant 128 : i32
      %mul3A_1547 = arith.muli %add3A_1475, %mul3A_1546 : i32
      %add3A_1548 = arith.constant 48 : i32
      %add3A_1549 = arith.addi %mul3A_1547, %add3A_1548 : i32
      %add3A_1550 = vector.broadcast %add3A_1549 : i32 to vector<16xi32>
      %add3A_1551 = arith.addi %add3A_1550, %iota3A : vector<16xi32>
      %rem3A_1552 = arith.constant 200 : i32
      %rem3A_1553 = vector.broadcast %rem3A_1552 : i32 to vector<16xi32>
      %rem3A_1554 = arith.remsi %add3A_1551, %rem3A_1553 : vector<16xi32>
      %mul3A_1555 = arith.constant 200 : i32
      %mul3A_1556 = vector.broadcast %mul3A_1555 : i32 to vector<16xi32>
      %mul3A_1557 = arith.muli %get3A_1545, %mul3A_1556 : vector<16xi32>
      %add3A_1558 = arith.addi %mul3A_1557, %rem3A_1554 : vector<16xi32>
      %swap3A_1559 = arith.index_cast %add3A_1475 : i32 to index
      %swap3A_1560 = arith.constant 48 : index
      %swap3A_1561 = tpu.vector_load %arg5[%swap3A_1559, %swap3A_1560] {strides = array<i32>} : memref<200x128xi32, #tpu.memory_space<vmem>>, vector<1x16xi32>,
      %swap3A_1562 = vector.shape_cast %swap3A_1561 : vector<1x16xi32> to vector<16xi32>
      %swap3A_1563 = vector.shape_cast %add3A_1558 : vector<16xi32> to vector<1x16xi32>
      tpu.vector_store %arg5[%swap3A_1559, %swap3A_1560], %swap3A_1563 {strides = array<i32>} : memref<200x128xi32, #tpu.memory_space<vmem>>, vector<1x16xi32>,
      %get3A_1564 = arith.index_cast %add3A_1475 : i32 to index
      %get3A_1565 = arith.constant 64 : index
      %get3A_1566 = tpu.vector_load %arg5[%get3A_1564, %get3A_1565] {strides = array<i32>} : memref<200x128xi32, #tpu.memory_space<vmem>>, vector<1x16xi32>,
      %get3A_1567 = vector.shape_cast %get3A_1566 : vector<1x16xi32> to vector<16xi32>
      %mul3A_1568 = arith.constant 128 : i32
      %mul3A_1569 = arith.muli %add3A_1475, %mul3A_1568 : i32
      %add3A_1570 = arith.constant 64 : i32
      %add3A_1571 = arith.addi %mul3A_1569, %add3A_1570 : i32
      %add3A_1572 = vector.broadcast %add3A_1571 : i32 to vector<16xi32>
      %add3A_1573 = arith.addi %add3A_1572, %iota3A : vector<16xi32>
      %rem3A_1574 = arith.constant 200 : i32
      %rem3A_1575 = vector.broadcast %rem3A_1574 : i32 to vector<16xi32>
      %rem3A_1576 = arith.remsi %add3A_1573, %rem3A_1575 : vector<16xi32>
      %mul3A_1577 = arith.constant 200 : i32
      %mul3A_1578 = vector.broadcast %mul3A_1577 : i32 to vector<16xi32>
      %mul3A_1579 = arith.muli %get3A_1567, %mul3A_1578 : vector<16xi32>
      %add3A_1580 = arith.addi %mul3A_1579, %rem3A_1576 : vector<16xi32>
      %swap3A_1581 = arith.index_cast %add3A_1475 : i32 to index
      %swap3A_1582 = arith.constant 64 : index
      %swap3A_1583 = tpu.vector_load %arg5[%swap3A_1581, %swap3A_1582] {strides = array<i32>} : memref<200x128xi32, #tpu.memory_space<vmem>>, vector<1x16xi32>,
      %swap3A_1584 = vector.shape_cast %swap3A_1583 : vector<1x16xi32> to vector<16xi32>
      %swap3A_1585 = vector.shape_cast %add3A_1580 : vector<16xi32> to vector<1x16xi32>
      tpu.vector_store %arg5[%swap3A_1581, %swap3A_1582], %swap3A_1585 {strides = array<i32>} : memref<200x128xi32, #tpu.memory_space<vmem>>, vector<1x16xi32>,
      %get3A_1586 = arith.index_cast %add3A_1475 : i32 to index
      %get3A_1587 = arith.constant 80 : index
      %get3A_1588 = tpu.vector_load %arg5[%get3A_1586, %get3A_1587] {strides = array<i32>} : memref<200x128xi32, #tpu.memory_space<vmem>>, vector<1x16xi32>,
      %get3A_1589 = vector.shape_cast %get3A_1588 : vector<1x16xi32> to vector<16xi32>
      %mul3A_1590 = arith.constant 128 : i32
      %mul3A_1591 = arith.muli %add3A_1475, %mul3A_1590 : i32
      %add3A_1592 = arith.constant 80 : i32
      %add3A_1593 = arith.addi %mul3A_1591, %add3A_1592 : i32
      %add3A_1594 = vector.broadcast %add3A_1593 : i32 to vector<16xi32>
      %add3A_1595 = arith.addi %add3A_1594, %iota3A : vector<16xi32>
      %rem3A_1596 = arith.constant 200 : i32
      %rem3A_1597 = vector.broadcast %rem3A_1596 : i32 to vector<16xi32>
      %rem3A_1598 = arith.remsi %add3A_1595, %rem3A_1597 : vector<16xi32>
      %mul3A_1599 = arith.constant 200 : i32
      %mul3A_1600 = vector.broadcast %mul3A_1599 : i32 to vector<16xi32>
      %mul3A_1601 = arith.muli %get3A_1589, %mul3A_1600 : vector<16xi32>
      %add3A_1602 = arith.addi %mul3A_1601, %rem3A_1598 : vector<16xi32>
      %swap3A_1603 = arith.index_cast %add3A_1475 : i32 to index
      %swap3A_1604 = arith.constant 80 : index
      %swap3A_1605 = tpu.vector_load %arg5[%swap3A_1603, %swap3A_1604] {strides = array<i32>} : memref<200x128xi32, #tpu.memory_space<vmem>>, vector<1x16xi32>,
      %swap3A_1606 = vector.shape_cast %swap3A_1605 : vector<1x16xi32> to vector<16xi32>
      %swap3A_1607 = vector.shape_cast %add3A_1602 : vector<16xi32> to vector<1x16xi32>
      tpu.vector_store %arg5[%swap3A_1603, %swap3A_1604], %swap3A_1607 {strides = array<i32>} : memref<200x128xi32, #tpu.memory_space<vmem>>, vector<1x16xi32>,
      %get3A_1608 = arith.index_cast %add3A_1475 : i32 to index
      %get3A_1609 = arith.constant 96 : index
      %get3A_1610 = tpu.vector_load %arg5[%get3A_1608, %get3A_1609] {strides = array<i32>} : memref<200x128xi32, #tpu.memory_space<vmem>>, vector<1x16xi32>,
      %get3A_1611 = vector.shape_cast %get3A_1610 : vector<1x16xi32> to vector<16xi32>
      %mul3A_1612 = arith.constant 128 : i32
      %mul3A_1613 = arith.muli %add3A_1475, %mul3A_1612 : i32
      %add3A_1614 = arith.constant 96 : i32
      %add3A_1615 = arith.addi %mul3A_1613, %add3A_1614 : i32
      %add3A_1616 = vector.broadcast %add3A_1615 : i32 to vector<16xi32>
      %add3A_1617 = arith.addi %add3A_1616, %iota3A : vector<16xi32>
      %rem3A_1618 = arith.constant 200 : i32
      %rem3A_1619 = vector.broadcast %rem3A_1618 : i32 to vector<16xi32>
      %rem3A_1620 = arith.remsi %add3A_1617, %rem3A_1619 : vector<16xi32>
      %mul3A_1621 = arith.constant 200 : i32
      %mul3A_1622 = vector.broadcast %mul3A_1621 : i32 to vector<16xi32>
      %mul3A_1623 = arith.muli %get3A_1611, %mul3A_1622 : vector<16xi32>
      %add3A_1624 = arith.addi %mul3A_1623, %rem3A_1620 : vector<16xi32>
      %swap3A_1625 = arith.index_cast %add3A_1475 : i32 to index
      %swap3A_1626 = arith.constant 96 : index
      %swap3A_1627 = tpu.vector_load %arg5[%swap3A_1625, %swap3A_1626] {strides = array<i32>} : memref<200x128xi32, #tpu.memory_space<vmem>>, vector<1x16xi32>,
      %swap3A_1628 = vector.shape_cast %swap3A_1627 : vector<1x16xi32> to vector<16xi32>
      %swap3A_1629 = vector.shape_cast %add3A_1624 : vector<16xi32> to vector<1x16xi32>
      tpu.vector_store %arg5[%swap3A_1625, %swap3A_1626], %swap3A_1629 {strides = array<i32>} : memref<200x128xi32, #tpu.memory_space<vmem>>, vector<1x16xi32>,
      %get3A_1630 = arith.index_cast %add3A_1475 : i32 to index
      %get3A_1631 = arith.constant 112 : index
      %get3A_1632 = tpu.vector_load %arg5[%get3A_1630, %get3A_1631] {strides = array<i32>} : memref<200x128xi32, #tpu.memory_space<vmem>>, vector<1x16xi32>,
      %get3A_1633 = vector.shape_cast %get3A_1632 : vector<1x16xi32> to vector<16xi32>
      %mul3A_1634 = arith.constant 128 : i32
      %mul3A_1635 = arith.muli %add3A_1475, %mul3A_1634 : i32
      %add3A_1636 = arith.constant 112 : i32
      %add3A_1637 = arith.addi %mul3A_1635, %add3A_1636 : i32
      %add3A_1638 = vector.broadcast %add3A_1637 : i32 to vector<16xi32>
      %add3A_1639 = arith.addi %add3A_1638, %iota3A : vector<16xi32>
      %rem3A_1640 = arith.constant 200 : i32
      %rem3A_1641 = vector.broadcast %rem3A_1640 : i32 to vector<16xi32>
      %rem3A_1642 = arith.remsi %add3A_1639, %rem3A_1641 : vector<16xi32>
      %mul3A_1643 = arith.constant 200 : i32
      %mul3A_1644 = vector.broadcast %mul3A_1643 : i32 to vector<16xi32>
      %mul3A_1645 = arith.muli %get3A_1633, %mul3A_1644 : vector<16xi32>
      %add3A_1646 = arith.addi %mul3A_1645, %rem3A_1642 : vector<16xi32>
      %swap3A_1647 = arith.index_cast %add3A_1475 : i32 to index
      %swap3A_1648 = arith.constant 112 : index
      %swap3A_1649 = tpu.vector_load %arg5[%swap3A_1647, %swap3A_1648] {strides = array<i32>} : memref<200x128xi32, #tpu.memory_space<vmem>>, vector<1x16xi32>,
      %swap3A_1650 = vector.shape_cast %swap3A_1649 : vector<1x16xi32> to vector<16xi32>
      %swap3A_1651 = vector.shape_cast %add3A_1646 : vector<16xi32> to vector<1x16xi32>
      tpu.vector_store %arg5[%swap3A_1647, %swap3A_1648], %swap3A_1651 {strides = array<i32>} : memref<200x128xi32, #tpu.memory_space<vmem>>, vector<1x16xi32>,
      %dma_start3A_1652 = arith.constant 0 : i32
      %dma_start3A_1653 = tpu.memref_slice %arg5[%add3A_1475, %dma_start3A_1652] : memref<200x128xi32, #tpu.memory_space<vmem>> -> memref<1x128xi32, #tpu.memory_space<vmem>>
      %dma_start3A_1654 = tpu.memref_squeeze %dma_start3A_1653 : memref<1x128xi32, #tpu.memory_space<vmem>> -> memref<128xi32, #tpu.memory_space<vmem>>
      %dma_start3A_1655 = arith.constant 0 : i32
      %dma_start3A_1656 = arith.constant 0 : i32
      %dma_start3A_1657 = tpu.memref_slice %arg2[%dma_start3A_1655, %dma_start3A_1656] : memref<25600x128xf32, #tpu.memory_space<hbm>> -> memref<25600x128xf32, #tpu.memory_space<hbm>>
      tpu.enqueue_indirect_dma source(%dma_start3A_1657 : memref<25600x128xf32, #tpu.memory_space<hbm>>) target(%arg9 : memref<128x128xf32, #tpu.memory_space<vmem>>) offsets(%dma_start3A_1654 : memref<128xi32, #tpu.memory_space<vmem>>) semaphore(%arg13 : memref<!tpu.dma_semaphore, #tpu.memory_space<semaphore_mem>>)
    }
    %scan3A_701 = arith.constant 49 : i32
    %dma_wait3A = arith.constant 196 : i32
    %dma_wait3A_702 = arith.constant 0 : i32
    %dma_wait3A_703 = tpu.memref_slice %arg5[%dma_wait3A, %dma_wait3A_702] : memref<200x128xi32, #tpu.memory_space<vmem>> -> memref<1x128xi32, #tpu.memory_space<vmem>>
    %dma_wait3A_704 = tpu.memref_squeeze %dma_wait3A_703 : memref<1x128xi32, #tpu.memory_space<vmem>> -> memref<128xi32, #tpu.memory_space<vmem>>
    %dma_wait3A_705 = arith.constant 0 : i32
    %dma_wait3A_706 = arith.constant 0 : i32
    %dma_wait3A_707 = tpu.memref_slice %arg2[%dma_wait3A_705, %dma_wait3A_706] : memref<25600x128xf32, #tpu.memory_space<hbm>> -> memref<25600x128xf32, #tpu.memory_space<hbm>>
    tpu.wait_indirect_dma semaphore(%arg10 : memref<!tpu.dma_semaphore, #tpu.memory_space<semaphore_mem>>) src(%dma_wait3A_707 : memref<25600x128xf32, #tpu.memory_space<hbm>>) dst(%arg6 : memref<128x128xf32, #tpu.memory_space<vmem>>)
    %dma_start3A_708 = arith.constant 196 : i32
    %dma_start3A_709 = arith.constant 0 : i32
    %dma_start3A_710 = arith.constant 0 : i32
    %dma_start3A_711 = tpu.memref_slice %arg4[%add3A, %dma_start3A_708, %dma_start3A_709, %dma_start3A_710] : memref<32x200x128x128xf32, #tpu.memory_space<hbm>> -> memref<1x1x128x128xf32, #tpu.memory_space<hbm>>
    %dma_start3A_712 = tpu.memref_squeeze %dma_start3A_711 : memref<1x1x128x128xf32, #tpu.memory_space<hbm>> -> memref<128x128xf32, #tpu.memory_space<hbm>>
    %dma_start3A_713 = arith.constant 0 : i32
    %dma_start3A_714 = arith.constant 0 : i32
    %dma_start3A_715 = tpu.memref_slice %arg4[%add3A, %dma_start3A_708, %dma_start3A_713, %dma_start3A_714] : memref<32x200x128x128xf32, #tpu.memory_space<hbm>> -> memref<1x1x128x128xf32, #tpu.memory_space<hbm>>
    %dma_start3A_716 = tpu.memref_squeeze %dma_start3A_715 : memref<1x1x128x128xf32, #tpu.memory_space<hbm>> -> memref<128x128xf32, #tpu.memory_space<hbm>>
    tpu.enqueue_dma source(%arg6 : memref<128x128xf32, #tpu.memory_space<vmem>>) target(%dma_start3A_716 : memref<128x128xf32, #tpu.memory_space<hbm>>) target_semaphore(%arg14 : memref<!tpu.dma_semaphore, #tpu.memory_space<semaphore_mem>>)
    %dma_wait3A_717 = arith.constant 197 : i32
    %dma_wait3A_718 = arith.constant 0 : i32
    %dma_wait3A_719 = tpu.memref_slice %arg5[%dma_wait3A_717, %dma_wait3A_718] : memref<200x128xi32, #tpu.memory_space<vmem>> -> memref<1x128xi32, #tpu.memory_space<vmem>>
    %dma_wait3A_720 = tpu.memref_squeeze %dma_wait3A_719 : memref<1x128xi32, #tpu.memory_space<vmem>> -> memref<128xi32, #tpu.memory_space<vmem>>
    %dma_wait3A_721 = arith.constant 0 : i32
    %dma_wait3A_722 = arith.constant 0 : i32
    %dma_wait3A_723 = tpu.memref_slice %arg2[%dma_wait3A_721, %dma_wait3A_722] : memref<25600x128xf32, #tpu.memory_space<hbm>> -> memref<25600x128xf32, #tpu.memory_space<hbm>>
    tpu.wait_indirect_dma semaphore(%arg11 : memref<!tpu.dma_semaphore, #tpu.memory_space<semaphore_mem>>) src(%dma_wait3A_723 : memref<25600x128xf32, #tpu.memory_space<hbm>>) dst(%arg7 : memref<128x128xf32, #tpu.memory_space<vmem>>)
    %dma_start3A_724 = arith.constant 197 : i32
    %dma_start3A_725 = arith.constant 0 : i32
    %dma_start3A_726 = arith.constant 0 : i32
    %dma_start3A_727 = tpu.memref_slice %arg4[%add3A, %dma_start3A_724, %dma_start3A_725, %dma_start3A_726] : memref<32x200x128x128xf32, #tpu.memory_space<hbm>> -> memref<1x1x128x128xf32, #tpu.memory_space<hbm>>
    %dma_start3A_728 = tpu.memref_squeeze %dma_start3A_727 : memref<1x1x128x128xf32, #tpu.memory_space<hbm>> -> memref<128x128xf32, #tpu.memory_space<hbm>>
    %dma_start3A_729 = arith.constant 0 : i32
    %dma_start3A_730 = arith.constant 0 : i32
    %dma_start3A_731 = tpu.memref_slice %arg4[%add3A, %dma_start3A_724, %dma_start3A_729, %dma_start3A_730] : memref<32x200x128x128xf32, #tpu.memory_space<hbm>> -> memref<1x1x128x128xf32, #tpu.memory_space<hbm>>
    %dma_start3A_732 = tpu.memref_squeeze %dma_start3A_731 : memref<1x1x128x128xf32, #tpu.memory_space<hbm>> -> memref<128x128xf32, #tpu.memory_space<hbm>>
    tpu.enqueue_dma source(%arg7 : memref<128x128xf32, #tpu.memory_space<vmem>>) target(%dma_start3A_732 : memref<128x128xf32, #tpu.memory_space<hbm>>) target_semaphore(%arg15 : memref<!tpu.dma_semaphore, #tpu.memory_space<semaphore_mem>>)
    %dma_wait3A_733 = arith.constant 198 : i32
    %dma_wait3A_734 = arith.constant 0 : i32
    %dma_wait3A_735 = tpu.memref_slice %arg5[%dma_wait3A_733, %dma_wait3A_734] : memref<200x128xi32, #tpu.memory_space<vmem>> -> memref<1x128xi32, #tpu.memory_space<vmem>>
    %dma_wait3A_736 = tpu.memref_squeeze %dma_wait3A_735 : memref<1x128xi32, #tpu.memory_space<vmem>> -> memref<128xi32, #tpu.memory_space<vmem>>
    %dma_wait3A_737 = arith.constant 0 : i32
    %dma_wait3A_738 = arith.constant 0 : i32
    %dma_wait3A_739 = tpu.memref_slice %arg2[%dma_wait3A_737, %dma_wait3A_738] : memref<25600x128xf32, #tpu.memory_space<hbm>> -> memref<25600x128xf32, #tpu.memory_space<hbm>>
    tpu.wait_indirect_dma semaphore(%arg12 : memref<!tpu.dma_semaphore, #tpu.memory_space<semaphore_mem>>) src(%dma_wait3A_739 : memref<25600x128xf32, #tpu.memory_space<hbm>>) dst(%arg8 : memref<128x128xf32, #tpu.memory_space<vmem>>)
    %dma_start3A_740 = arith.constant 198 : i32
    %dma_start3A_741 = arith.constant 0 : i32
    %dma_start3A_742 = arith.constant 0 : i32
    %dma_start3A_743 = tpu.memref_slice %arg4[%add3A, %dma_start3A_740, %dma_start3A_741, %dma_start3A_742] : memref<32x200x128x128xf32, #tpu.memory_space<hbm>> -> memref<1x1x128x128xf32, #tpu.memory_space<hbm>>
    %dma_start3A_744 = tpu.memref_squeeze %dma_start3A_743 : memref<1x1x128x128xf32, #tpu.memory_space<hbm>> -> memref<128x128xf32, #tpu.memory_space<hbm>>
    %dma_start3A_745 = arith.constant 0 : i32
    %dma_start3A_746 = arith.constant 0 : i32
    %dma_start3A_747 = tpu.memref_slice %arg4[%add3A, %dma_start3A_740, %dma_start3A_745, %dma_start3A_746] : memref<32x200x128x128xf32, #tpu.memory_space<hbm>> -> memref<1x1x128x128xf32, #tpu.memory_space<hbm>>
    %dma_start3A_748 = tpu.memref_squeeze %dma_start3A_747 : memref<1x1x128x128xf32, #tpu.memory_space<hbm>> -> memref<128x128xf32, #tpu.memory_space<hbm>>
    tpu.enqueue_dma source(%arg8 : memref<128x128xf32, #tpu.memory_space<vmem>>) target(%dma_start3A_748 : memref<128x128xf32, #tpu.memory_space<hbm>>) target_semaphore(%arg16 : memref<!tpu.dma_semaphore, #tpu.memory_space<semaphore_mem>>)
    %dma_wait3A_749 = arith.constant 199 : i32
    %dma_wait3A_750 = arith.constant 0 : i32
    %dma_wait3A_751 = tpu.memref_slice %arg5[%dma_wait3A_749, %dma_wait3A_750] : memref<200x128xi32, #tpu.memory_space<vmem>> -> memref<1x128xi32, #tpu.memory_space<vmem>>
    %dma_wait3A_752 = tpu.memref_squeeze %dma_wait3A_751 : memref<1x128xi32, #tpu.memory_space<vmem>> -> memref<128xi32, #tpu.memory_space<vmem>>
    %dma_wait3A_753 = arith.constant 0 : i32
    %dma_wait3A_754 = arith.constant 0 : i32
    %dma_wait3A_755 = tpu.memref_slice %arg2[%dma_wait3A_753, %dma_wait3A_754] : memref<25600x128xf32, #tpu.memory_space<hbm>> -> memref<25600x128xf32, #tpu.memory_space<hbm>>
    tpu.wait_indirect_dma semaphore(%arg13 : memref<!tpu.dma_semaphore, #tpu.memory_space<semaphore_mem>>) src(%dma_wait3A_755 : memref<25600x128xf32, #tpu.memory_space<hbm>>) dst(%arg9 : memref<128x128xf32, #tpu.memory_space<vmem>>)
    %dma_start3A_756 = arith.constant 199 : i32
    %dma_start3A_757 = arith.constant 0 : i32
    %dma_start3A_758 = arith.constant 0 : i32
    %dma_start3A_759 = tpu.memref_slice %arg4[%add3A, %dma_start3A_756, %dma_start3A_757, %dma_start3A_758] : memref<32x200x128x128xf32, #tpu.memory_space<hbm>> -> memref<1x1x128x128xf32, #tpu.memory_space<hbm>>
    %dma_start3A_760 = tpu.memref_squeeze %dma_start3A_759 : memref<1x1x128x128xf32, #tpu.memory_space<hbm>> -> memref<128x128xf32, #tpu.memory_space<hbm>>
    %dma_start3A_761 = arith.constant 0 : i32
    %dma_start3A_762 = arith.constant 0 : i32
    %dma_start3A_763 = tpu.memref_slice %arg4[%add3A, %dma_start3A_756, %dma_start3A_761, %dma_start3A_762] : memref<32x200x128x128xf32, #tpu.memory_space<hbm>> -> memref<1x1x128x128xf32, #tpu.memory_space<hbm>>
    %dma_start3A_764 = tpu.memref_squeeze %dma_start3A_763 : memref<1x1x128x128xf32, #tpu.memory_space<hbm>> -> memref<128x128xf32, #tpu.memory_space<hbm>>
    tpu.enqueue_dma source(%arg9 : memref<128x128xf32, #tpu.memory_space<vmem>>) target(%dma_start3A_764 : memref<128x128xf32, #tpu.memory_space<hbm>>) target_semaphore(%arg17 : memref<!tpu.dma_semaphore, #tpu.memory_space<semaphore_mem>>)
    %dma_wait3A_765 = arith.constant 196 : i32
    %dma_wait3A_766 = arith.constant 0 : i32
    %dma_wait3A_767 = arith.constant 0 : i32
    %dma_wait3A_768 = tpu.memref_slice %arg4[%add3A, %dma_wait3A_765, %dma_wait3A_766, %dma_wait3A_767] : memref<32x200x128x128xf32, #tpu.memory_space<hbm>> -> memref<1x1x128x128xf32, #tpu.memory_space<hbm>>
    %dma_wait3A_769 = tpu.memref_squeeze %dma_wait3A_768 : memref<1x1x128x128xf32, #tpu.memory_space<hbm>> -> memref<128x128xf32, #tpu.memory_space<hbm>>
    %dma_wait3A_770 = arith.constant 0 : i32
    %dma_wait3A_771 = arith.constant 0 : i32
    %dma_wait3A_772 = tpu.memref_slice %arg4[%add3A, %dma_wait3A_765, %dma_wait3A_770, %dma_wait3A_771] : memref<32x200x128x128xf32, #tpu.memory_space<hbm>> -> memref<1x1x128x128xf32, #tpu.memory_space<hbm>>
    %dma_wait3A_773 = tpu.memref_squeeze %dma_wait3A_772 : memref<1x1x128x128xf32, #tpu.memory_space<hbm>> -> memref<128x128xf32, #tpu.memory_space<hbm>>
    tpu.wait_dma2 semaphore(%arg14 : memref<!tpu.dma_semaphore, #tpu.memory_space<semaphore_mem>>) src(%arg6 : memref<128x128xf32, #tpu.memory_space<vmem>>) dst(%dma_wait3A_773 : memref<128x128xf32, #tpu.memory_space<hbm>>)
    %dma_wait3A_774 = arith.constant 197 : i32
    %dma_wait3A_775 = arith.constant 0 : i32
    %dma_wait3A_776 = arith.constant 0 : i32
    %dma_wait3A_777 = tpu.memref_slice %arg4[%add3A, %dma_wait3A_774, %dma_wait3A_775, %dma_wait3A_776] : memref<32x200x128x128xf32, #tpu.memory_space<hbm>> -> memref<1x1x128x128xf32, #tpu.memory_space<hbm>>
    %dma_wait3A_778 = tpu.memref_squeeze %dma_wait3A_777 : memref<1x1x128x128xf32, #tpu.memory_space<hbm>> -> memref<128x128xf32, #tpu.memory_space<hbm>>
    %dma_wait3A_779 = arith.constant 0 : i32
    %dma_wait3A_780 = arith.constant 0 : i32
    %dma_wait3A_781 = tpu.memref_slice %arg4[%add3A, %dma_wait3A_774, %dma_wait3A_779, %dma_wait3A_780] : memref<32x200x128x128xf32, #tpu.memory_space<hbm>> -> memref<1x1x128x128xf32, #tpu.memory_space<hbm>>
    %dma_wait3A_782 = tpu.memref_squeeze %dma_wait3A_781 : memref<1x1x128x128xf32, #tpu.memory_space<hbm>> -> memref<128x128xf32, #tpu.memory_space<hbm>>
    tpu.wait_dma2 semaphore(%arg15 : memref<!tpu.dma_semaphore, #tpu.memory_space<semaphore_mem>>) src(%arg7 : memref<128x128xf32, #tpu.memory_space<vmem>>) dst(%dma_wait3A_782 : memref<128x128xf32, #tpu.memory_space<hbm>>)
    %dma_wait3A_783 = arith.constant 198 : i32
    %dma_wait3A_784 = arith.constant 0 : i32
    %dma_wait3A_785 = arith.constant 0 : i32
    %dma_wait3A_786 = tpu.memref_slice %arg4[%add3A, %dma_wait3A_783, %dma_wait3A_784, %dma_wait3A_785] : memref<32x200x128x128xf32, #tpu.memory_space<hbm>> -> memref<1x1x128x128xf32, #tpu.memory_space<hbm>>
    %dma_wait3A_787 = tpu.memref_squeeze %dma_wait3A_786 : memref<1x1x128x128xf32, #tpu.memory_space<hbm>> -> memref<128x128xf32, #tpu.memory_space<hbm>>
    %dma_wait3A_788 = arith.constant 0 : i32
    %dma_wait3A_789 = arith.constant 0 : i32
    %dma_wait3A_790 = tpu.memref_slice %arg4[%add3A, %dma_wait3A_783, %dma_wait3A_788, %dma_wait3A_789] : memref<32x200x128x128xf32, #tpu.memory_space<hbm>> -> memref<1x1x128x128xf32, #tpu.memory_space<hbm>>
    %dma_wait3A_791 = tpu.memref_squeeze %dma_wait3A_790 : memref<1x1x128x128xf32, #tpu.memory_space<hbm>> -> memref<128x128xf32, #tpu.memory_space<hbm>>
    tpu.wait_dma2 semaphore(%arg16 : memref<!tpu.dma_semaphore, #tpu.memory_space<semaphore_mem>>) src(%arg8 : memref<128x128xf32, #tpu.memory_space<vmem>>) dst(%dma_wait3A_791 : memref<128x128xf32, #tpu.memory_space<hbm>>)
    %dma_wait3A_792 = arith.constant 199 : i32
    %dma_wait3A_793 = arith.constant 0 : i32
    %dma_wait3A_794 = arith.constant 0 : i32
    %dma_wait3A_795 = tpu.memref_slice %arg4[%add3A, %dma_wait3A_792, %dma_wait3A_793, %dma_wait3A_794] : memref<32x200x128x128xf32, #tpu.memory_space<hbm>> -> memref<1x1x128x128xf32, #tpu.memory_space<hbm>>
    %dma_wait3A_796 = tpu.memref_squeeze %dma_wait3A_795 : memref<1x1x128x128xf32, #tpu.memory_space<hbm>> -> memref<128x128xf32, #tpu.memory_space<hbm>>
    %dma_wait3A_797 = arith.constant 0 : i32
    %dma_wait3A_798 = arith.constant 0 : i32
    %dma_wait3A_799 = tpu.memref_slice %arg4[%add3A, %dma_wait3A_792, %dma_wait3A_797, %dma_wait3A_798] : memref<32x200x128x128xf32, #tpu.memory_space<hbm>> -> memref<1x1x128x128xf32, #tpu.memory_space<hbm>>
    %dma_wait3A_800 = tpu.memref_squeeze %dma_wait3A_799 : memref<1x1x128x128xf32, #tpu.memory_space<hbm>> -> memref<128x128xf32, #tpu.memory_space<hbm>>
    tpu.wait_dma2 semaphore(%arg17 : memref<!tpu.dma_semaphore, #tpu.memory_space<semaphore_mem>>) src(%arg9 : memref<128x128xf32, #tpu.memory_space<vmem>>) dst(%dma_wait3A_800 : memref<128x128xf32, #tpu.memory_space<hbm>>)
    return
  }
}

module attributes {stable_mosaic.version = 14 : i64} {
  func.func @_build_body(%arg0: i32, %arg1: memref<128xi32, #tpu.memory_space<vmem>>, %arg2: memref<128xf32, #tpu.memory_space<vmem>>, %arg3: memref<64x128xf32, #tpu.memory_space<vmem>>, %arg4: memref<128xi32, #tpu.memory_space<vmem>>, %arg5: memref<128x8x128xf32, #tpu.memory_space<vmem>>) attributes {dimension_semantics = [#tpu.dimension_semantics<arbitrary>], iteration_bounds = array<i64: 25>, scalar_prefetch = 0 : i64, scratch_operands = 0 : i64, tpu.core_type = #tpu.core_type<tc>, window_params = [{pipeline_mode = #tpu.pipeline_mode<synchronous>, transform_indices = @transform_0, window_bounds = array<i64: 128>}, {pipeline_mode = #tpu.pipeline_mode<synchronous>, transform_indices = @transform_1, window_bounds = array<i64: 128>}, {pipeline_mode = #tpu.pipeline_mode<synchronous>, transform_indices = @transform_2, window_bounds = array<i64: 64, 128>}, {pipeline_mode = #tpu.pipeline_mode<synchronous>, transform_indices = @transform_3, window_bounds = array<i64: 128>}, {transform_indices = @transform_4, window_bounds = array<i64: 128, 8, 128>}]} {
    %get3A = arith.constant 0 : index
    %get3A_0 = vector.load %arg1[%get3A] : memref<128xi32, #tpu.memory_space<vmem>>, vector<128xi32>
    %get3A_1 = arith.constant 0 : index
    %get3A_2 = vector.load %arg2[%get3A_1] : memref<128xf32, #tpu.memory_space<vmem>>, vector<128xf32>
    %broadcast_in_dim3A = vector.shape_cast %get3A_0 : vector<128xi32> to vector<128x1xi32>
    %iota3A = tpu.iota {dimensions = array<i32: 1>} : vector<128x64xi32>
    %eq3A = vector.broadcast %broadcast_in_dim3A : vector<128x1xi32> to vector<128x64xi32>
    %eq3A_3 = arith.cmpi eq, %eq3A, %iota3A : vector<128x64xi32>
    %convert_element_type3A = arith.extui %eq3A_3 : vector<128x64xi1> to vector<128x64xi32>
    %convert_element_type3A_4 = arith.sitofp %convert_element_type3A : vector<128x64xi32> to vector<128x64xf32>
    %get3A_5 = arith.constant 0 : index
    %get3A_6 = arith.constant 0 : index
    %get3A_7 = vector.load %arg3[%get3A_5, %get3A_6] : memref<64x128xf32, #tpu.memory_space<vmem>>, vector<64x128xf32>
    %dot_general3A = arith.constant dense<0.000000e+00> : vector<128x128xf32>
    %dot_general3A_8 = tpu.matmul %convert_element_type3A_4, %get3A_7, %dot_general3A {dimension_numbers = #tpu.dot_dimension_numbers<[1], [0], [0], [1], [0, 0, 1, 1], [], []>, precision = #tpu.contract_precision<fp32>, transpose_lhs_hint = false} : vector<128x64xf32>, vector<64x128xf32>, vector<128x128xf32> -> vector<128x128xf32>
    %broadcast_in_dim3A_9 = vector.shape_cast %get3A_2 : vector<128xf32> to vector<128x1xf32>
    %mul3A = vector.broadcast %broadcast_in_dim3A_9 : vector<128x1xf32> to vector<128x128xf32>
    %mul3A_10 = arith.mulf %dot_general3A_8, %mul3A : vector<128x128xf32>
    %iota3A_11 = tpu.iota {dimensions = array<i32: 1>} : vector<128x8x128xi32>
    %mul3A_12 = arith.constant 8 : i32
    %mul3A_13 = arith.muli %arg0, %mul3A_12 : i32
    %add3A = vector.broadcast %mul3A_13 : i32 to vector<128x8x128xi32>
    %add3A_14 = arith.addi %iota3A_11, %add3A : vector<128x8x128xi32>
    %convert_element_type3A_15 = arith.sitofp %add3A_14 : vector<128x8x128xi32> to vector<128x8x128xf32>
    %get3A_16 = arith.constant 0 : index
    %get3A_17 = vector.load %arg4[%get3A_16] : memref<128xi32, #tpu.memory_space<vmem>>, vector<128xi32>
    %broadcast_in_dim3A_18 = vector.shape_cast %get3A_17 : vector<128xi32> to vector<1x1x128xi32>
    %ne3A = arith.constant 0 : i32
    %ne3A_19 = vector.broadcast %ne3A : i32 to vector<1x1x128xi32>
    %ne3A_20 = arith.cmpi ne, %broadcast_in_dim3A_18, %ne3A_19 : vector<1x1x128xi32>
    %broadcast_in_dim3A_21 = vector.shape_cast %mul3A_10 : vector<128x128xf32> to vector<128x1x128xf32>
    %broadcast_in_dim3A_22 = vector.shape_cast %ne3A_20 : vector<1x1x128xi1> to vector<1x1x128xi1>
    %broadcast_in_dim3A_23 = vector.broadcast %broadcast_in_dim3A_22 : vector<1x1x128xi1> to vector<128x8x128xi1>
    %broadcast_in_dim3A_24 = vector.shape_cast %broadcast_in_dim3A_21 : vector<128x1x128xf32> to vector<128x1x128xf32>
    %broadcast_in_dim3A_25 = vector.broadcast %broadcast_in_dim3A_24 : vector<128x1x128xf32> to vector<128x8x128xf32>
    %select_n3A = arith.select %broadcast_in_dim3A_23, %convert_element_type3A_15, %broadcast_in_dim3A_25 : vector<128x8x128xi1>, vector<128x8x128xf32>
    %swap3A = arith.constant 0 : index
    %swap3A_26 = arith.constant 0 : index
    %swap3A_27 = arith.constant 0 : index
    %swap3A_28 = vector.load %arg5[%swap3A, %swap3A_26, %swap3A_27] : memref<128x8x128xf32, #tpu.memory_space<vmem>>, vector<128x8x128xf32>
    tpu.vector_store %arg5[%swap3A, %swap3A_26, %swap3A_27], %select_n3A {strides = array<i32>} : memref<128x8x128xf32, #tpu.memory_space<vmem>>, vector<128x8x128xf32>,
    return
  }
  func.func @transform_0(%arg0: i32) -> i32 {
    %c0_i32 = arith.constant 0 : i32
    %c0_i32_0 = arith.constant 0 : i32
    return %c0_i32 : i32
  }
  func.func @transform_1(%arg0: i32) -> i32 {
    %c0_i32 = arith.constant 0 : i32
    %c0_i32_0 = arith.constant 0 : i32
    return %c0_i32 : i32
  }
  func.func @transform_2(%arg0: i32) -> (i32, i32) {
    %c0_i32 = arith.constant 0 : i32
    %c0_i32_0 = arith.constant 0 : i32
    %c0_i32_1 = arith.constant 0 : i32
    return %c0_i32, %c0_i32_0 : i32, i32
  }
  func.func @transform_3(%arg0: i32) -> i32 {
    %c0_i32 = arith.constant 0 : i32
    %c0_i32_0 = arith.constant 0 : i32
    return %c0_i32 : i32
  }
  func.func @transform_4(%arg0: i32) -> (i32, i32, i32) {
    %c0_i32 = arith.constant 0 : i32
    %c0_i32_0 = arith.constant 0 : i32
    %c0_i32_1 = arith.constant 0 : i32
    return %c0_i32, %arg0, %c0_i32_0 : i32, i32, i32
  }
}

</mosaic_0001>

<sc_bundles>
// kernel: kernel.4.cloned.1.call-start
scs
__scs_entry_jumppad:
0x0: {  	(pc) =	sbr.rel $0x88, $3  }
0x1: {  	(tag) =	ssettag $0x0;
	lr =	simm.s32 $0x1  }
0x2: {  	[smem:$0x3F9C] =	sst lr;
	_ =	strace $0xD0000000  }
0x3: {  	_ = 	snop  }
0x4: {  	_ = 	snop  }
0x5: {  	_ = 	snop  }
0x6: {  	_ = 	snop  }
0x7: {  	_ = 	snop  }
__scs_overlays_trampoline_lowered:
0x8: {  	[smem:$0x3FAB] =	sst s0  }
0x9: {  	[smem:$0x3FAC] =	sst s1  }
0xa: {  	[smem:$0x3FAD] =	sst s2  }
0xb: {  	[smem:$0x3FAE] =	sst s3  }
0xc: {  	[smem:$0x3FAF] =	sst s4  }
0xd: {  	[smem:$0x3FB0] =	sst s5  }
0xe: {  	[smem:$0x3FB1] =	sst s6  }
0xf: {  	[smem:$0x3FB2] =	sst s7  }
0x10: {  	[smem:$0x3FB3] =	sst s8  }
0x11: {  	[smem:$0x3FB4] =	sst s9;
	s0 =	simm.s32 @!p0 $0x0  }
0x12: {  	s1 =	sld [smem:$0x3F9A];
	s0 =	simm.s32 @p0 $0x1  }
0x13: {  	[smem:$0x3FB5] =	sst s0;
	s0 =	simm.s32 @!p1 $0x0  }
0x14: {  	s2 =	sld [smem:$0x3F99];
	s0 =	simm.s32 @p1 $0x1  }
0x15: {  	[smem:$0x3FB6] =	sst s0;
	s0 =	simm.s32 @!p2 $0x0  }
0x16: {  	s3 =	sld [smem:$0x3FDB];
	s0 =	simm.s32 @p2 $0x1  }
0x17: {  	s4 =	simm.s32 $0x1BF5;
	[smem:$0x3FB8] =	sst s0  }
0x18: {  	s0 =	sld [smem:$0x3F9B];
	_ =	swait.ge [sflag:s4], $0x0  }
0x19: {  	s7 =	sld [smem:$0x3F9C]  }
0x1a: {  	s8 =	sadd.s32 $0xFFFFE003, lr  }
0x1b: {  	s9 =	sadd.s32 $0xFFFFFEF7, lr;
	s5 =	simm.s32 $0xFFFFFFFF;
	p2 =	slt.u32 s8, $0xFFFFF086  }
0x1c: {  	p1 =	slt.u32 s9, $0xF7A;
	s5 =	simm.s32 @!p2 $0x0  }
0x1d: {  	s5 =	simm.s32 @p1 $0x1;
	p0 =	seq.s32 s7, s2  }
0x1e: {  	s7 =	smul.u32 @!p0 $0xF7A, s2;
	p2 =	seq.s32 @!p0 s5, $0x0  }
0x1f: {  	s9 =	smul.u32 $0xF7A, s1;
	s8 =	simm.s32 @!p0 $0x1BF5;
	p2 =	por !p2, p0  }
0x20: {  	[sflag:s8] =	ssyncset.s32 @!p0 $0xFFFFF086;
	s6 =	sadd.s32 @!p0 s3, s7;
	s7 =	simm.s32 @!p0 $0x108  }
0x21: {  	s3 =	sadd.s32 s3, s9;
	s6 =	sadd.s32 @!p0 $0x88, s6;
	s7 =	simm.s32 @p2 $0x1082  }
0x22: {  	[simem:s7], [sflag:s8] =	dma.local @!p0 [hbm:s6], $0xF7A  }
0x23: {  	s9 =	sor.u32 $0xD0000000, s2;
	s6 =	simm.s32 $0x108;
	_ =	swait.ge @!p0 [sflag:s8], $0x0  }
0x24: {  	s3 =	sadd.s32 $0x88, s3;
	s6 =	simm.s32 @!p1 $0x1082;
	[sflag:s4] =	ssyncset.s32 $0xFFFFF086  }
0x25: {  	[simem:s6], [sflag:s4] =	dma.local [hbm:s3], $0xF7A  }
0x26: {  	[smem:$0x3F9C] =	sst s1;
	(tag) =	ssettag s2;
	_ =	strace s9  }
0x27: {  	s1 =	sld [smem:$0x3FAC]  }
0x28: {  	s2 =	sld [smem:$0x3FAD]  }
0x29: {  	s4 =	sld [smem:$0x3FAF]  }
0x2a: {  	p0 =	seq.s32 s5, $0x0;
	s5 =	sld [smem:$0x3FB0]  }
0x2b: {  	s6 =	sld [smem:$0x3FB1]  }
0x2c: {  	s7 =	sld [smem:$0x3FB2]  }
0x2d: {  	s3 =	simm.s32 $0x108;
	s8 =	sld [smem:$0x3FB3]  }
0x2e: {  	s3 =	simm.s32 @!p0 $0x1082;
	s9 =	sld [smem:$0x3FB4]  }
0x2f: {  	lr =	sadd.s32 s0, s3;
	s0 =	sld [smem:$0x3FAB]  }
0x30: {  	s3 =	sld [smem:$0x3FAE]  }
0x31: {  	[smem:$0x3FB7] =	sst s10  }
0x32: {  	s10 =	sld [smem:$0x3FB5];
	_ =	sdelay $0x3  }
0x33: {  	p0 =	seq.s32 s10, $0x1;
	s10 =	sld [smem:$0x3FB7];
	_ =	sdelay $0x3  }
0x34: {  	[smem:$0x3FB7] =	sst s10  }
0x35: {  	s10 =	sld [smem:$0x3FB6];
	_ =	sdelay $0x3  }
0x36: {  	p1 =	seq.s32 s10, $0x1;
	s10 =	sld [smem:$0x3FB7];
	_ =	sdelay $0x3  }
0x37: {  	[smem:$0x3FB7] =	sst s10  }
0x38: {  	s10 =	sld [smem:$0x3FB8]  }
0x39: {  	_ = 	snop;
	(pc) =	sbr.ind lr, $3  }
0x3a: {  	_ = 	snop  }
0x3b: {  	_ = 	snop  }
0x3c: {  	p2 =	seq.s32 s10, $0x1;
	s10 =	sld [smem:$0x3FB7]  }
0x3d: {  	_ =	shalt  }
0x3e: {  	_ =	shalt  }
0x3f: {  	_ =	shalt  }
0x40: {  	_ =	shalt  }
0x41: {  	_ =	shalt  }
0x42: {  	_ =	shalt  }
0x43: {  	_ =	shalt  }
0x44: {  	_ =	shalt  }
0x45: {  	_ =	shalt  }
0x46: {  	_ =	shalt  }
0x47: {  	_ =	shalt  }
0x48: {  	_ =	shalt  }
0x49: {  	_ =	shalt  }
0x4a: {  	_ =	shalt  }
0x4b: {  	_ =	shalt  }
0x4c: {  	_ =	shalt  }
0x4d: {  	_ =	shalt  }
0x4e: {  	_ =	shalt  }
0x4f: {  	_ =	shalt  }
0x50: {  	_ =	shalt  }
0x51: {  	_ =	shalt  }
0x52: {  	_ =	shalt  }
0x53: {  	_ =	shalt  }
0x54: {  	_ =	shalt  }
0x55: {  	_ =	shalt  }
0x56: {  	_ =	shalt  }
0x57: {  	_ =	shalt  }
0x58: {  	_ =	shalt  }
0x59: {  	_ =	shalt  }
0x5a: {  	_ =	shalt  }
0x5b: {  	_ =	shalt  }
0x5c: {  	_ =	shalt  }
0x5d: {  	_ =	shalt  }
0x5e: {  	_ =	shalt  }
0x5f: {  	_ =	shalt  }
0x60: {  	_ =	shalt  }
0x61: {  	_ =	shalt  }
0x62: {  	_ =	shalt  }
0x63: {  	_ =	shalt  }
0x64: {  	_ =	shalt  }
0x65: {  	_ =	shalt  }
0x66: {  	_ =	shalt  }
0x67: {  	_ =	shalt  }
0x68: {  	_ =	shalt  }
0x69: {  	_ =	shalt  }
0x6a: {  	_ =	shalt  }
0x6b: {  	_ =	shalt  }
0x6c: {  	_ =	shalt  }
0x6d: {  	_ =	shalt  }
0x6e: {  	_ =	shalt  }
0x6f: {  	_ =	shalt  }
0x70: {  	_ =	shalt  }
0x71: {  	_ =	shalt  }
0x72: {  	_ =	shalt  }
0x73: {  	_ =	shalt  }
0x74: {  	_ =	shalt  }
0x75: {  	_ =	shalt  }
0x76: {  	_ =	shalt  }
0x77: {  	_ =	shalt  }
0x78: {  	_ =	shalt  }
0x79: {  	_ =	shalt  }
0x7a: {  	_ =	shalt  }
0x7b: {  	_ =	shalt  }
0x7c: {  	_ =	shalt  }
0x7d: {  	_ =	shalt  }
0x7e: {  	_ =	shalt  }
0x7f: {  	_ =	shalt  }
0x80: {  	_ =	shalt  }
0x81: {  	_ =	shalt  }
0x82: {  	_ =	shalt  }
0x83: {  	_ =	shalt  }
0x84: {  	_ =	shalt  }
0x85: {  	_ =	shalt  }
0x86: {  	_ =	shalt  }
0x87: {  	_ =	shalt  }
.Lfunc_end0:
.L_simem_size_0:
called_computation_lowered:
.L_overlay_start_0:
0x88: {  	s2 =	sld [smem:$0x3FD9]  }
0x89: {  	s3 =	sld [smem:$0x3FFE];
	_ =	sdelay $0x1  }
0x8a: {  	s1 =	srdreg.scid  }
0x8b: {  	s0 =	sand.u32 $0x1, s1  }
0x8c: {  	s17 =	sshll.u32 s0, $0xA;
	s2 =	sadd.s32 s3, s2  }
0x8d: {  	s2 =	sadd.s32 s2, s17  }
0x8e: {  	[smem:$0x3FC3] =	sst s2  }
0x8f: {  	_ = 	snop  }
0x90: {  	s2 =	sld [smem:$0x3FD0];
	(tm) =	ssettm $0x1  }
0x91: {  	s18 =	sld [smem:$0x3FFB];
	_ =	sdelay $0x3  }
0x92: {  	_ =	strace s18  }
0x93: {  	s3 =	sld [smem:$0x3FFC];
	_ =	sdelay $0x3  }
0x94: {  	_ =	strace s3  }
0x95: {  	s3 =	sld [smem:$0x3FFD];
	_ =	sdelay $0x3  }
0x96: {  	_ =	strace s3  }
0x97: {  	_ =	strace $0x8FFFFFFF  }
0x98: {  	s19 =	sld [smem:$0x3FDB];
	_ =	sdelay $0x1  }
0x99: {  	s4 =	simm.s32 $_scs_section_size  }
0x9a: {  	s5 =	simm.s32 $_size__tile_overlayer_lowered;
	s6 =	simm.s32 $_tile_overlayer_lowered  }
0x9b: {  	s22 =	simm.s32 $0x1BFF;
	s21 =	sshll.u32 s6, $0x1;
	s3 =	sadd.s32 s4, s19  }
0x9c: {  	s7 =	simm.s32 $0x0;
	s20 =	sshll.u32 s5, $0x1;
	s5 =	sadd.s32 s21, s3  }
0x9d: {  	[timem:s7], [sflag:s22] =	dma.local [hbm:s5], s20  }
0x9e: {  	_ =	swait.ge [sflag:s22], s20  }
0x9f: {  	s4 =	ssub.s32 $0x0, s20;
	[sflag:s22] =	ssyncset.done $0x0  }
0xa0: {  	[sflag:s22] =	ssyncadd.s32 s4;
	_ =	sdelay $0x1  }
0xa1: {  	s23 =	simm.s32 $0x1B8B  }
0xa2: {  	_ =	swait.ge [sflag:s23], $0x1  }
0xa3: {  	[sflag:s23] =	ssyncset.done $0x0  }
0xa4: {  	s25 =	simm.s32 $0x1B8E;
	s24 =	sld [smem:$0x3FFE];
	[sflag:s23] =	ssyncadd.s32 $0xFFFFFFFF  }
0xa5: {  	s26 =	simm.s32 $execute0_lowered;
	[smem:$0x3FD2] =	sst s25  }
0xa6: {  	s5 =	sshll.u32 s26, $0x1;
	_ =	strace $0x80000046;
	[dreg:$0x1] =	wrdreg $0xFFFFFFFF  }
0xa7: {  	s28 =	simm.s32 $_size_execute0_lowered;
	s3 =	sadd.s32 s3, s5;
	[dreg:$0x0] =	wrdreg $0x0  }
0xa8: {  	s5 =	sshll.u32 s28, $0x1;
	[dreg:$0x2] =	wrdreg s3  }
0xa9: {  	[dreg:$0x3] =	wrdreg s5  }
0xaa: {  	[dreg:$0x4] =	wrdreg $0xC0  }
0xab: {  	_ =	task [dreg:s7], $0x5FFFF  }
0xac: {  	[dreg:$0x1] =	wrdreg $0xFFFFFFFF  }
0xad: {  	[dreg:$0x0] =	wrdreg $0x60  }
0xae: {  	[dreg:$0x2] =	wrdreg s24  }
0xaf: {  	[dreg:$0x3] =	wrdreg s2  }
0xb0: {  	[dreg:$0x4] =	wrdreg $0x9  }
0xb1: {  	_ =	task.clear_ibuf [dreg:s7], $0x5FFFF;
	_ =	strace $0x90000046  }
0xb2: {  	s29 =	simm.s32 $0x9;
	_ =	strace $0x80000048  }
0xb3: {  	_ =	swait.ge [sflag:s29], $0x1  }
0xb4: {  	[sflag:s29] =	ssyncadd.s32 $0xFFFFFFFF  }
0xb5: {  	_ =	strace $0x90000048  }
0xb6: {  	_ =	sfence  }
0xb7: {  	s30 =	sld [smem:$0x0];
	_ =	sdelay $0x2  }
0xb8: {  	s31 =	sshll.u32 s1, $0xD;
	s1 =	sshrl.u32 s1, $0x2  }
0xb9: {  	s3 =	sand.u32 $0x4000, s31;
	s1 =	sadd.s32 s1, s30  }
0xba: {  	s0 =	sor.u32 s3, s0;
	s1 =	sshll.u32 s1, $0x11  }
0xbb: {  	s0 =	sor.u32 s1, s0  }
0xbc: {  	s0 =	sadd.s32 $0x8F2B, s0  }
0xbd: {  	[sflag:s0] =	ssyncadd.remote.s32 $0x1  }
0xbe: {  	_ =	sfence.sel $0xFFFF  }
0xbf: {  	[dreg:$0x0] =	wrdreg $0xFFFFFFFF;
	(pc) =	sbr.abs _section_cstart, $3  }
0xc0: {  	[dreg:$0x1] =	wrdreg $0xFFFFFFFF  }
0xc1: {  	_ =	task.clear_ibuf [dreg:s7], $0x2FFFF;
	_ =	strace $0x9FFFFFFF  }
0xc2: {  	(tm) =	ssettm $0x7FFFFFFF  }
0xc3: {  	_ =	shalt  }
tec
execute0_lowered:
.L_overlay_start_1:
0x0: {  	(tag) =	ssettag $0x1  }
0x1: {  	s0 =	srdreg.scid  }
0x2: {  	s6 =	stileid.u32;
	s1 =	rddreg [dreg:$0x0]  }
0x3: {  	s10 =	rddreg [dreg:$0x1];
	s14 =	simm.s32 $0x9;
	s15 =	simm.s32 $0x80  }
0x4: {  	s16 =	simm.s32 $0x6400;
	s17 =	simm.s32 $0xA400;
	s19 =	simm.s32 $0xE400  }
0x5: {  	s28 =	simm.s32 $0x6;
	s29 =	simm.s32 $0x7;
	s30 =	simm.s32 $0x8  }
0x6: {  	s0 =	sand.u32 $0x1, s0;
	s2 =	sshll.u32 s6, $0x1;
	s8 =	smul.u32 $0x640000, s6  }
0x7: {  	s3 =	sor.u32 s0, s2;
	s20 =	ssub.s32 $0x2, s0;
	s0 =	smul.u32 $0x320000, s0  }
0x8: {  	v1 =	vimm.s32 $0x76543210;
	s31 =	simm.s32 $0x0;
	s2 =	simm.s32 $0x0;
	s4 =	smul.u32 $0xC80, s3  }
0x9: {  	v2 =	vimm.s32 $0xC3C2C1C0;
	[smem:$0x7FF] =	sst s2;
	s5 =	smul.u32 $0x320000, s3;
	s3 =	sadd.s32 $0x19C00, s1  }
0xa: {  	v0 =	vlaneseq.u32;
	v3 =	vimm.s32 $0xC7C6C5C4;
	vm0 =	vcmask $0x1F10;
	s21 =	sshrl.u32 s20, $0x1;
	_ =	strace $0x80000047;
	s0 =	sadd.s32 s0, s8  }
0xb: {  	v4 =	vunpack.c.l.s4.s8 v1;
	v1 =	vor.u32 $0x10, v0;
	v5 =	vunpack.c.0.s8.s32 v2;
	s1 =	sadd.s32 s4, s1;
	s5 =	sshrl.u32 s5, $0x3;
	s4 =	ssub.s32 s20, s21  }
0xc: {  	v6 =	vunpack.c.0.s8.s32 v3;
	v2 =	vor.u32 $0x20, v0;
	v3 =	vor.u32 $0x30, v0;
	s24 =	sor.u32 $0xC000, s0;
	s25 =	sor.u32 $0x8000, s0;
	s11 =	sor.u32 $0x4000, s0  }
0xd: {  	v9 =	vor.u32 $0x90, v0;
	v10 =	vor.u32 $0xA0, v0;
	v11 =	vor.u32 $0xB0, v0;
	s0 =	sshrl.u32 s0, $0x3;
	s21 =	simm.s32 $0x12400;
	s5 =	sadd.s32 s10, s5  }
0xe: {  	v13 =	vadd.s32 $0x8, v0;
	v14 =	vadd.s32 $0x18, v0;
	v15 =	vadd.s32 $0x28, v0;
	s1 =	sadd.s32 $0xC00, s1;
	s9 =	smax.u32 s4, $0x1;
	s26 =	sshrl.u32 s25, $0x3  }
0xf: {  	v16 =	vadd.s32 $0x38, v0;
	v17 =	vadd.s32 $0x48, v0;
	v18 =	vadd.s32 $0x58, v0;
	s11 =	sshrl.u32 s11, $0x3;
	s18 =	sadd.s32 s0, s10;
	s25 =	simm.s32 $0x4  }
0x10: {  	v19 =	vadd.s32 $0x68, v0;
	v20 =	vadd.s32 $0x78, v0;
	v7 =	vunpack.c.0.s8.s32 v4;
	[dreg:$0x3] =	wrdreg s1;
	s22 =	sadd.s32 $0x62000, s5;
	s23 =	sadd.s32 $0x62800, s5  }
0x11: {  	v21 =	vadd.s32 $0x88, v0;
	v22 =	vadd.s32 $0x98, v0;
	v8 =	vsel vm0, v6, v5;
	s7 =	sadd.s32 $0x63000, s5;
	s8 =	sadd.s32 $0x63800, s5;
	s1 =	sshrl.u32 s24, $0x3  }
0x12: {  	v23 =	vadd.s32 $0xA8, v0;
	v24 =	vadd.s32 $0xB8, v0;
	v12 =	vcombine.low v8, v7;
	s4 =	sadd.s32 s26, s10;
	s20 =	sadd.s32 s11, s10;
	[dreg:$0x4] =	wrdreg s22  }
0x13: {  	v4 =	vor.u32 $0x40, v0;
	v5 =	vor.u32 $0x50, v0;
	v6 =	vor.u32 $0x60, v0;
	s24 =	simm.s32 $0x3;
	s26 =	simm.s32 $0x5;
	[dreg:$0x5] =	wrdreg s23  }
0x14: {  	v7 =	vor.u32 $0x70, v0;
	v8 =	vor.u32 $0x80, v0;
	v12 =	vand.u32 $0xFF, v12;
	s5 =	sadd.s32 s1, s10;
	s22 =	simm.s32 $0x1;
	s23 =	simm.s32 $0x2  }
.LBB2_1:
0x15: {  	s0 =	rddreg [dreg:$0x3]  }
0x16: {  	[tilespmem:s2], [sflag:$0x9] =	stream.linear.gather [hbm4b:s0+s2], $0x6400, $0x38;
	[tilespmem:$0x16400] =	vst v63  }
0x17: {  	_ =	swait.ge [sflag:s14], $0x6400  }
0x18: {  	[sflag:s14] =	ssyncset.done $0x0  }
0x19: {  	[sflag:s14] =	ssyncadd.s32 $0xFFFF9C00  }
0x1a: {  	v25 =	vld [tilespmem:$0x0]  }
0x1b: {  	v26 =	vld [tilespmem:$0x10]  }
0x1c: {  	v27 =	vld [tilespmem:$0x20]  }
0x1d: {  	v28 =	vld [tilespmem:$0x30]  }
0x1e: {  	v29 =	vld [tilespmem:$0x40]  }
0x1f: {  	v30 =	vld [tilespmem:$0x50];
	v25 =	vmul.u32 $0xC8, v25  }
0x20: {  	v31 =	vld [tilespmem:$0x60];
	v26 =	vmul.u32 $0xC8, v26  }
0x21: {  	v32 =	vld [tilespmem:$0x70];
	v27 =	vmul.u32 $0xC8, v27;
	v25 =	vadd.s32 v0, v25  }
0x22: {  	[tilespmem:$0x0] =	vst v25;
	v25 =	vadd.s32 v1, v26;
	v26 =	vmul.u32 $0xC8, v28  }
0x23: {  	[tilespmem:$0x10] =	vst v25;
	v25 =	vadd.s32 v2, v27;
	v27 =	vmul.u32 $0xC8, v29  }
0x24: {  	[tilespmem:$0x20] =	vst v25;
	v25 =	vadd.s32 v3, v26;
	v26 =	vmul.u32 $0xC8, v30  }
0x25: {  	[tilespmem:$0x30] =	vst v25;
	v25 =	vadd.s32 v4, v27;
	v27 =	vmul.u32 $0xC8, v31  }
0x26: {  	[tilespmem:$0x40] =	vst v25;
	v25 =	vadd.s32 v5, v26;
	v26 =	vmul.u32 $0xC8, v32  }
0x27: {  	[tilespmem:$0x50] =	vst v25;
	v25 =	vadd.s32 v6, v27  }
0x28: {  	[tilespmem:$0x60] =	vst v25;
	v25 =	vadd.s32 v7, v26  }
0x29: {  	[tilespmem:$0x70] =	vst v25  }
0x2a: {  	[tilespmem:s16], [sflag:$0x1] =	stream.indirect.gather [hbm4b:s3+s15], $0x80, s2, s15, $0xb8;
	[tilespmem:$0x16400] =	vst v63  }
0x2b: {  	v25 =	vld [tilespmem:$0x80]  }
0x2c: {  	v26 =	vld [tilespmem:$0x90]  }
0x2d: {  	v27 =	vld [tilespmem:$0xA0]  }
0x2e: {  	v49 =	vld [tilespmem:$0xB0]  }
0x2f: {  	v50 =	vld [tilespmem:$0xC0]  }
0x30: {  	v51 =	vld [tilespmem:$0xD0];
	v25 =	vmul.u32 $0xC8, v25  }
0x31: {  	v52 =	vld [tilespmem:$0xE0];
	v26 =	vmul.u32 $0xC8, v26  }
0x32: {  	v53 =	vld [tilespmem:$0xF0];
	v27 =	vmul.u32 $0xC8, v27;
	v25 =	vadd.s32 v8, v25  }
0x33: {  	[tilespmem:$0x80] =	vst v25;
	v25 =	vadd.s32 v9, v26;
	v26 =	vmul.u32 $0xC8, v49  }
0x34: {  	[tilespmem:$0x90] =	vst v25;
	v25 =	vadd.s32 v10, v27;
	v27 =	vmul.u32 $0xC8, v50  }
0x35: {  	[tilespmem:$0xA0] =	vst v25;
	v25 =	vadd.s32 v11, v26;
	v26 =	vmul.u32 $0xC8, v51  }
0x36: {  	[tilespmem:$0xB0] =	vst v25;
	v25 =	vadd.s32 v12, v27;
	v27 =	vmul.u32 $0xC8, v52  }
0x37: {  	[tilespmem:$0xC0] =	vst v25;
	v25 =	vadd.s32 v13, v26;
	v26 =	vmul.u32 $0xC8, v53  }
0x38: {  	[tilespmem:$0xD0] =	vst v25;
	v25 =	vadd.s32 v14, v27  }
0x39: {  	[tilespmem:$0xE0] =	vst v25;
	v25 =	vadd.s32 v15, v26  }
0x3a: {  	[tilespmem:$0xF0] =	vst v25  }
0x3b: {  	[tilespmem:s17], [sflag:$0x2] =	stream.indirect.gather [hbm4b:s3+s15], $0x80, s15, s15, $0xb8;
	[tilespmem:$0x16400] =	vst v63  }
0x3c: {  	v25 =	vld [tilespmem:$0x100]  }
0x3d: {  	v26 =	vld [tilespmem:$0x110]  }
0x3e: {  	v27 =	vld [tilespmem:$0x120]  }
0x3f: {  	v54 =	vld [tilespmem:$0x130]  }
0x40: {  	v55 =	vld [tilespmem:$0x140]  }
0x41: {  	v56 =	vld [tilespmem:$0x150];
	v25 =	vmul.u32 $0xC8, v25  }
0x42: {  	v57 =	vld [tilespmem:$0x160];
	v26 =	vmul.u32 $0xC8, v26  }
0x43: {  	v58 =	vld [tilespmem:$0x170];
	v27 =	vmul.u32 $0xC8, v27;
	v25 =	vadd.s32 v16, v25  }
0x44: {  	[tilespmem:$0x100] =	vst v25;
	v25 =	vadd.s32 v17, v26;
	v26 =	vmul.u32 $0xC8, v54  }
0x45: {  	[tilespmem:$0x110] =	vst v25;
	v25 =	vadd.s32 v18, v27;
	v27 =	vmul.u32 $0xC8, v55  }
0x46: {  	[tilespmem:$0x120] =	vst v25;
	v25 =	vadd.s32 v19, v26;
	v26 =	vmul.u32 $0xC8, v56  }
0x47: {  	[tilespmem:$0x130] =	vst v25;
	v25 =	vadd.s32 v20, v27;
	v27 =	vmul.u32 $0xC8, v57  }
0x48: {  	[tilespmem:$0x140] =	vst v25;
	v25 =	vadd.s32 v21, v26;
	v26 =	vmul.u32 $0xC8, v58  }
0x49: {  	[tilespmem:$0x150] =	vst v25;
	v25 =	vadd.s32 v22, v27  }
0x4a: {  	[tilespmem:$0x160] =	vst v25;
	v25 =	vadd.s32 v23, v26  }
0x4b: {  	s12 =	simm.s32 $0x100;
	[tilespmem:$0x170] =	vst v25  }
0x4c: {  	[tilespmem:s19], [sflag:$0x3] =	stream.indirect.gather [hbm4b:s3+s15], $0x80, s12, s15, $0xb8;
	[tilespmem:$0x16400] =	vst v63  }
0x4d: {  	v25 =	vld [tilespmem:$0x180]  }
0x4e: {  	v26 =	vld [tilespmem:$0x190]  }
0x4f: {  	v27 =	vld [tilespmem:$0x1A0]  }
0x50: {  	v59 =	vld [tilespmem:$0x1B0]  }
0x51: {  	v60 =	vld [tilespmem:$0x1C0]  }
0x52: {  	v61 =	vld [tilespmem:$0x1D0];
	v25 =	vmul.u32 $0xC8, v25  }
0x53: {  	v62 =	vld [tilespmem:$0x1E0];
	v26 =	vmul.u32 $0xC8, v26  }
0x54: {  	v63 =	vld [tilespmem:$0x1F0];
	v27 =	vmul.u32 $0xC8, v27;
	v25 =	vadd.s32 v24, v25  }
0x55: {  	[tilespmem:$0x180] =	vst v25;
	v25 =	vadd.s32 v0, v26;
	v26 =	vmul.u32 $0xC8, v59  }
0x56: {  	[tilespmem:$0x190] =	vst v25;
	v25 =	vadd.s32 v1, v27;
	v27 =	vmul.u32 $0xC8, v60  }
0x57: {  	[tilespmem:$0x1A0] =	vst v25;
	v25 =	vadd.s32 v2, v26;
	v26 =	vmul.u32 $0xC8, v61  }
0x58: {  	[tilespmem:$0x1B0] =	vst v25;
	v25 =	vadd.s32 v3, v27;
	v27 =	vmul.u32 $0xC8, v62  }
0x59: {  	[tilespmem:$0x1C0] =	vst v25;
	v25 =	vadd.s32 v4, v26;
	v26 =	vmul.u32 $0xC8, v63  }
0x5a: {  	[tilespmem:$0x1D0] =	vst v25;
	v25 =	vadd.s32 v5, v27  }
0x5b: {  	s13 =	simm.s32 $0x180;
	[tilespmem:$0x1E0] =	vst v25;
	v25 =	vadd.s32 v6, v26  }
0x5c: {  	s1 =	simm.s32 $0x3F0;
	s11 =	smov.u32 s4;
	s10 =	smov.u32 s5;
	[tilespmem:$0x1F0] =	vst v25  }
0x5d: {  	[tilespmem:s21], [sflag:$0x4] =	stream.indirect.gather [hbm4b:s3+s15], $0x80, s13, s15, $0xb8;
	[tilespmem:$0x16400] =	vst v63  }
0x5e: {  	s0 =	simm.s32 $0x200;
	s12 =	smov.u32 s20;
	s13 =	smov.u32 s18  }
.LBB2_2:
0x5f: {  	_ =	swait.ge [sflag:s22], $0x4000  }
0x60: {  	[sflag:s22] =	ssyncset.done $0x0  }
0x61: {  	[sflag:s22] =	ssyncadd.s32 $0xFFFFC000  }
0x62: {  	[hbm4b:s13+s2] =	stream.linear.scatter [tilespmem:s16], [sflag:$0x5], $0x4000, $0x38;
	[tilespmem:$0x16400] =	vst v63  }
0x63: {  	_ =	swait.ge [sflag:s23], $0x4000  }
0x64: {  	[sflag:s23] =	ssyncset.done $0x0  }
0x65: {  	[sflag:s23] =	ssyncadd.s32 $0xFFFFC000  }
0x66: {  	[hbm4b:s12+s2] =	stream.linear.scatter [tilespmem:s17], [sflag:$0x6], $0x4000, $0x38;
	[tilespmem:$0x16400] =	vst v63  }
0x67: {  	_ =	swait.ge [sflag:s24], $0x4000  }
0x68: {  	[sflag:s24] =	ssyncset.done $0x0  }
0x69: {  	[sflag:s24] =	ssyncadd.s32 $0xFFFFC000  }
0x6a: {  	[hbm4b:s11+s2] =	stream.linear.scatter [tilespmem:s19], [sflag:$0x7], $0x4000, $0x38;
	[tilespmem:$0x16400] =	vst v63  }
0x6b: {  	_ =	swait.ge [sflag:s25], $0x4000  }
0x6c: {  	[sflag:s25] =	ssyncset.done $0x0  }
0x6d: {  	[sflag:s25] =	ssyncadd.s32 $0xFFFFC000  }
0x6e: {  	[hbm4b:s10+s2] =	stream.linear.scatter [tilespmem:s21], [sflag:$0x8], $0x4000, $0x38;
	[tilespmem:$0x16400] =	vst v63  }
0x6f: {  	_ =	swait.ge [sflag:s26], $0x4000  }
0x70: {  	[sflag:s26] =	ssyncset.done $0x0  }
0x71: {  	s6 =	sadd.s32 $0xFFFFFE10, s1;
	[sflag:s26] =	ssyncadd.s32 $0xFFFFC000  }
0x72: {  	v26 =	vor.u32 s6, v0;
	v25 =	vld [tilespmem:s0+$0x0]  }
0x73: {  	v27 =	vmulhi.u32 $0x51EB851F, v26;
	_ =	sdelay $0x1  }
0x74: {  	v27 =	vshrl.u32 v27, $0x6  }
0x75: {  	v27 =	vmul.u32 $0xC8, v27  }
0x76: {  	v25 =	vmul.u32 $0xC8, v25  }
0x77: {  	v26 =	vsub.s32 v26, v27  }
0x78: {  	s6 =	sadd.s32 $0xFFFFFE20, s1;
	v25 =	vadd.s32 v26, v25  }
0x79: {  	v26 =	vor.u32 s6, v0;
	[tilespmem:s0+$0x0] =	vst v25;
	v25 =	vld [tilespmem:s0+$0x10]  }
0x7a: {  	v27 =	vmulhi.u32 $0x51EB851F, v26;
	_ =	sdelay $0x1  }
0x7b: {  	v27 =	vshrl.u32 v27, $0x6  }
0x7c: {  	v27 =	vmul.u32 $0xC8, v27  }
0x7d: {  	v25 =	vmul.u32 $0xC8, v25  }
0x7e: {  	v26 =	vsub.s32 v26, v27  }
0x7f: {  	s6 =	sadd.s32 $0xFFFFFE30, s1;
	v25 =	vadd.s32 v26, v25  }
0x80: {  	v26 =	vor.u32 s6, v0;
	[tilespmem:s0+$0x10] =	vst v25;
	v25 =	vld [tilespmem:s0+$0x20]  }
0x81: {  	v27 =	vmulhi.u32 $0x51EB851F, v26;
	_ =	sdelay $0x1  }
0x82: {  	v27 =	vshrl.u32 v27, $0x6  }
0x83: {  	v27 =	vmul.u32 $0xC8, v27  }
0x84: {  	v25 =	vmul.u32 $0xC8, v25  }
0x85: {  	v26 =	vsub.s32 v26, v27  }
0x86: {  	s6 =	sadd.s32 $0xFFFFFE40, s1;
	v25 =	vadd.s32 v26, v25  }
0x87: {  	v26 =	vor.u32 s6, v0;
	[tilespmem:s0+$0x20] =	vst v25;
	v25 =	vld [tilespmem:s0+$0x30]  }
0x88: {  	v27 =	vmulhi.u32 $0x51EB851F, v26;
	_ =	sdelay $0x1  }
0x89: {  	v27 =	vshrl.u32 v27, $0x6  }
0x8a: {  	v27 =	vmul.u32 $0xC8, v27  }
0x8b: {  	v25 =	vmul.u32 $0xC8, v25  }
0x8c: {  	v26 =	vsub.s32 v26, v27  }
0x8d: {  	s6 =	sadd.s32 $0xFFFFFE50, s1;
	v25 =	vadd.s32 v26, v25  }
0x8e: {  	v26 =	vor.u32 s6, v0;
	[tilespmem:s0+$0x30] =	vst v25;
	v25 =	vld [tilespmem:s0+$0x40]  }
0x8f: {  	v27 =	vmulhi.u32 $0x51EB851F, v26;
	_ =	sdelay $0x1  }
0x90: {  	v27 =	vshrl.u32 v27, $0x6  }
0x91: {  	v27 =	vmul.u32 $0xC8, v27  }
0x92: {  	v25 =	vmul.u32 $0xC8, v25  }
0x93: {  	v26 =	vsub.s32 v26, v27  }
0x94: {  	s6 =	sadd.s32 $0xFFFFFE60, s1;
	v25 =	vadd.s32 v26, v25  }
0x95: {  	v26 =	vor.u32 s6, v0;
	[tilespmem:s0+$0x40] =	vst v25;
	v25 =	vld [tilespmem:s0+$0x50]  }
0x96: {  	v27 =	vmulhi.u32 $0x51EB851F, v26;
	_ =	sdelay $0x1  }
0x97: {  	v27 =	vshrl.u32 v27, $0x6  }
0x98: {  	v27 =	vmul.u32 $0xC8, v27  }
0x99: {  	v25 =	vmul.u32 $0xC8, v25  }
0x9a: {  	v26 =	vsub.s32 v26, v27  }
0x9b: {  	s6 =	sadd.s32 $0xFFFFFE70, s1;
	v25 =	vadd.s32 v26, v25  }
0x9c: {  	v26 =	vor.u32 s6, v0;
	[tilespmem:s0+$0x50] =	vst v25;
	v25 =	vld [tilespmem:s0+$0x60]  }
0x9d: {  	v27 =	vmulhi.u32 $0x51EB851F, v26;
	_ =	sdelay $0x1  }
0x9e: {  	v27 =	vshrl.u32 v27, $0x6  }
0x9f: {  	v27 =	vmul.u32 $0xC8, v27  }
0xa0: {  	v25 =	vmul.u32 $0xC8, v25  }
0xa1: {  	v26 =	vsub.s32 v26, v27  }
0xa2: {  	s6 =	sadd.s32 $0xFFFFFE80, s1;
	v25 =	vadd.s32 v26, v25  }
0xa3: {  	v26 =	vor.u32 s6, v0;
	[tilespmem:s0+$0x60] =	vst v25;
	v25 =	vld [tilespmem:s0+$0x70]  }
0xa4: {  	v27 =	vmulhi.u32 $0x51EB851F, v26;
	_ =	sdelay $0x1  }
0xa5: {  	v27 =	vshrl.u32 v27, $0x6  }
0xa6: {  	v27 =	vmul.u32 $0xC8, v27  }
0xa7: {  	v25 =	vmul.u32 $0xC8, v25  }
0xa8: {  	v26 =	vsub.s32 v26, v27  }
0xa9: {  	v25 =	vadd.s32 v26, v25  }
0xaa: {  	[tilespmem:s0+$0x70] =	vst v25  }
0xab: {  	[tilespmem:s16], [sflag:$0x1] =	stream.indirect.gather [hbm4b:s3+s15], $0x80, s0, s15, $0xb8;
	[tilespmem:$0x16400] =	vst v63  }
0xac: {  	_ =	swait.ge [sflag:s28], $0x4000  }
0xad: {  	[sflag:s28] =	ssyncset.done $0x0  }
0xae: {  	s6 =	sadd.s32 $0xFFFFFE90, s1;
	[sflag:s28] =	ssyncadd.s32 $0xFFFFC000  }
0xaf: {  	v26 =	vor.u32 s6, v0;
	v25 =	vld [tilespmem:s0+$0x80]  }
0xb0: {  	v27 =	vmulhi.u32 $0x51EB851F, v26;
	_ =	sdelay $0x1  }
0xb1: {  	v27 =	vshrl.u32 v27, $0x6  }
0xb2: {  	v27 =	vmul.u32 $0xC8, v27  }
0xb3: {  	v25 =	vmul.u32 $0xC8, v25  }
0xb4: {  	v26 =	vsub.s32 v26, v27  }
0xb5: {  	s6 =	sadd.s32 $0xFFFFFEA0, s1;
	v25 =	vadd.s32 v26, v25  }
0xb6: {  	v26 =	vor.u32 s6, v0;
	[tilespmem:s0+$0x80] =	vst v25;
	v25 =	vld [tilespmem:s0+$0x90]  }
0xb7: {  	v27 =	vmulhi.u32 $0x51EB851F, v26;
	_ =	sdelay $0x1  }
0xb8: {  	v27 =	vshrl.u32 v27, $0x6  }
0xb9: {  	v27 =	vmul.u32 $0xC8, v27  }
0xba: {  	v25 =	vmul.u32 $0xC8, v25  }
0xbb: {  	v26 =	vsub.s32 v26, v27  }
0xbc: {  	s6 =	sadd.s32 $0xFFFFFEB0, s1;
	v25 =	vadd.s32 v26, v25  }
0xbd: {  	v26 =	vor.u32 s6, v0;
	[tilespmem:s0+$0x90] =	vst v25;
	v25 =	vld [tilespmem:s0+$0xA0]  }
0xbe: {  	v27 =	vmulhi.u32 $0x51EB851F, v26;
	_ =	sdelay $0x1  }
0xbf: {  	v27 =	vshrl.u32 v27, $0x6  }
0xc0: {  	v27 =	vmul.u32 $0xC8, v27  }
0xc1: {  	v25 =	vmul.u32 $0xC8, v25  }
0xc2: {  	v26 =	vsub.s32 v26, v27  }
0xc3: {  	s6 =	sadd.s32 $0xFFFFFEC0, s1;
	v25 =	vadd.s32 v26, v25  }
0xc4: {  	v26 =	vor.u32 s6, v0;
	[tilespmem:s0+$0xA0] =	vst v25;
	v25 =	vld [tilespmem:s0+$0xB0]  }
0xc5: {  	v27 =	vmulhi.u32 $0x51EB851F, v26;
	_ =	sdelay $0x1  }
0xc6: {  	v27 =	vshrl.u32 v27, $0x6  }
0xc7: {  	v27 =	vmul.u32 $0xC8, v27  }
0xc8: {  	v25 =	vmul.u32 $0xC8, v25  }
0xc9: {  	v26 =	vsub.s32 v26, v27  }
0xca: {  	s6 =	sadd.s32 $0xFFFFFED0, s1;
	v25 =	vadd.s32 v26, v25  }
0xcb: {  	v26 =	vor.u32 s6, v0;
	[tilespmem:s0+$0xB0] =	vst v25;
	v25 =	vld [tilespmem:s0+$0xC0]  }
0xcc: {  	v27 =	vmulhi.u32 $0x51EB851F, v26;
	_ =	sdelay $0x1  }
0xcd: {  	v27 =	vshrl.u32 v27, $0x6  }
0xce: {  	v27 =	vmul.u32 $0xC8, v27  }
0xcf: {  	v25 =	vmul.u32 $0xC8, v25  }
0xd0: {  	v26 =	vsub.s32 v26, v27  }
0xd1: {  	s6 =	sadd.s32 $0xFFFFFEE0, s1;
	v25 =	vadd.s32 v26, v25  }
0xd2: {  	v26 =	vor.u32 s6, v0;
	[tilespmem:s0+$0xC0] =	vst v25;
	v25 =	vld [tilespmem:s0+$0xD0]  }
0xd3: {  	v27 =	vmulhi.u32 $0x51EB851F, v26;
	_ =	sdelay $0x1  }
0xd4: {  	v27 =	vshrl.u32 v27, $0x6  }
0xd5: {  	v27 =	vmul.u32 $0xC8, v27  }
0xd6: {  	v25 =	vmul.u32 $0xC8, v25  }
0xd7: {  	v26 =	vsub.s32 v26, v27  }
0xd8: {  	s6 =	sadd.s32 $0xFFFFFEF0, s1;
	v25 =	vadd.s32 v26, v25  }
0xd9: {  	v26 =	vor.u32 s6, v0;
	[tilespmem:s0+$0xD0] =	vst v25;
	v25 =	vld [tilespmem:s0+$0xE0]  }
0xda: {  	v27 =	vmulhi.u32 $0x51EB851F, v26;
	_ =	sdelay $0x1  }
0xdb: {  	v27 =	vshrl.u32 v27, $0x6  }
0xdc: {  	v27 =	vmul.u32 $0xC8, v27  }
0xdd: {  	v25 =	vmul.u32 $0xC8, v25  }
0xde: {  	v26 =	vsub.s32 v26, v27  }
0xdf: {  	s6 =	sadd.s32 $0xFFFFFF00, s1;
	v25 =	vadd.s32 v26, v25  }
0xe0: {  	v26 =	vor.u32 s6, v0;
	[tilespmem:s0+$0xE0] =	vst v25;
	v25 =	vld [tilespmem:s0+$0xF0]  }
0xe1: {  	v27 =	vmulhi.u32 $0x51EB851F, v26;
	_ =	sdelay $0x1  }
0xe2: {  	v27 =	vshrl.u32 v27, $0x6  }
0xe3: {  	v27 =	vmul.u32 $0xC8, v27  }
0xe4: {  	v25 =	vmul.u32 $0xC8, v25  }
0xe5: {  	v26 =	vsub.s32 v26, v27  }
0xe6: {  	v25 =	vadd.s32 v26, v25  }
0xe7: {  	s6 =	sadd.s32 $0x80, s0;
	[tilespmem:s0+$0xF0] =	vst v25  }
0xe8: {  	[tilespmem:s17], [sflag:$0x2] =	stream.indirect.gather [hbm4b:s3+s15], $0x80, s6, s15, $0xb8;
	[tilespmem:$0x16400] =	vst v63  }
0xe9: {  	_ =	swait.ge [sflag:s29], $0x4000  }
0xea: {  	[sflag:s29] =	ssyncset.done $0x0  }
0xeb: {  	s6 =	sadd.s32 $0xFFFFFF10, s1;
	[sflag:s29] =	ssyncadd.s32 $0xFFFFC000  }
0xec: {  	v26 =	vor.u32 s6, v0;
	v25 =	vld [tilespmem:s0+$0x100]  }
0xed: {  	v27 =	vmulhi.u32 $0x51EB851F, v26;
	_ =	sdelay $0x1  }
0xee: {  	v27 =	vshrl.u32 v27, $0x6  }
0xef: {  	v27 =	vmul.u32 $0xC8, v27  }
0xf0: {  	v25 =	vmul.u32 $0xC8, v25  }
0xf1: {  	v26 =	vsub.s32 v26, v27  }
0xf2: {  	s6 =	sadd.s32 $0xFFFFFF20, s1;
	v25 =	vadd.s32 v26, v25  }
0xf3: {  	v26 =	vor.u32 s6, v0;
	[tilespmem:s0+$0x100] =	vst v25;
	v25 =	vld [tilespmem:s0+$0x110]  }
0xf4: {  	v27 =	vmulhi.u32 $0x51EB851F, v26;
	_ =	sdelay $0x1  }
0xf5: {  	v27 =	vshrl.u32 v27, $0x6  }
0xf6: {  	v27 =	vmul.u32 $0xC8, v27  }
0xf7: {  	v25 =	vmul.u32 $0xC8, v25  }
0xf8: {  	v26 =	vsub.s32 v26, v27  }
0xf9: {  	s6 =	sadd.s32 $0xFFFFFF30, s1;
	v25 =	vadd.s32 v26, v25  }
0xfa: {  	v26 =	vor.u32 s6, v0;
	[tilespmem:s0+$0x110] =	vst v25;
	v25 =	vld [tilespmem:s0+$0x120]  }
0xfb: {  	v27 =	vmulhi.u32 $0x51EB851F, v26;
	_ =	sdelay $0x1  }
0xfc: {  	v27 =	vshrl.u32 v27, $0x6  }
0xfd: {  	v27 =	vmul.u32 $0xC8, v27  }
0xfe: {  	v25 =	vmul.u32 $0xC8, v25  }
0xff: {  	v26 =	vsub.s32 v26, v27  }
0x100: {  	s6 =	sadd.s32 $0xFFFFFF40, s1;
	v25 =	vadd.s32 v26, v25  }
0x101: {  	v26 =	vor.u32 s6, v0;
	[tilespmem:s0+$0x120] =	vst v25;
	v25 =	vld [tilespmem:s0+$0x130]  }
0x102: {  	v27 =	vmulhi.u32 $0x51EB851F, v26;
	_ =	sdelay $0x1  }
0x103: {  	v27 =	vshrl.u32 v27, $0x6  }
0x104: {  	v27 =	vmul.u32 $0xC8, v27  }
0x105: {  	v25 =	vmul.u32 $0xC8, v25  }
0x106: {  	v26 =	vsub.s32 v26, v27  }
0x107: {  	s6 =	sadd.s32 $0xFFFFFF50, s1;
	v25 =	vadd.s32 v26, v25  }
0x108: {  	v26 =	vor.u32 s6, v0;
	[tilespmem:s0+$0x130] =	vst v25;
	v25 =	vld [tilespmem:s0+$0x140]  }
0x109: {  	v27 =	vmulhi.u32 $0x51EB851F, v26;
	_ =	sdelay $0x1  }
0x10a: {  	v27 =	vshrl.u32 v27, $0x6  }
0x10b: {  	v27 =	vmul.u32 $0xC8, v27  }
0x10c: {  	v25 =	vmul.u32 $0xC8, v25  }
0x10d: {  	v26 =	vsub.s32 v26, v27  }
0x10e: {  	s6 =	sadd.s32 $0xFFFFFF60, s1;
	v25 =	vadd.s32 v26, v25  }
0x10f: {  	v26 =	vor.u32 s6, v0;
	[tilespmem:s0+$0x140] =	vst v25;
	v25 =	vld [tilespmem:s0+$0x150]  }
0x110: {  	v27 =	vmulhi.u32 $0x51EB851F, v26;
	_ =	sdelay $0x1  }
0x111: {  	v27 =	vshrl.u32 v27, $0x6  }
0x112: {  	v27 =	vmul.u32 $0xC8, v27  }
0x113: {  	v25 =	vmul.u32 $0xC8, v25  }
0x114: {  	v26 =	vsub.s32 v26, v27  }
0x115: {  	s6 =	sadd.s32 $0xFFFFFF70, s1;
	v25 =	vadd.s32 v26, v25  }
0x116: {  	v26 =	vor.u32 s6, v0;
	[tilespmem:s0+$0x150] =	vst v25;
	v25 =	vld [tilespmem:s0+$0x160]  }
0x117: {  	v27 =	vmulhi.u32 $0x51EB851F, v26;
	_ =	sdelay $0x1  }
0x118: {  	v27 =	vshrl.u32 v27, $0x6  }
0x119: {  	v27 =	vmul.u32 $0xC8, v27  }
0x11a: {  	v25 =	vmul.u32 $0xC8, v25  }
0x11b: {  	v26 =	vsub.s32 v26, v27  }
0x11c: {  	s6 =	sadd.s32 $0xFFFFFF80, s1;
	v25 =	vadd.s32 v26, v25  }
0x11d: {  	v26 =	vor.u32 s6, v0;
	[tilespmem:s0+$0x160] =	vst v25;
	v25 =	vld [tilespmem:s0+$0x170]  }
0x11e: {  	v27 =	vmulhi.u32 $0x51EB851F, v26;
	_ =	sdelay $0x1  }
0x11f: {  	v27 =	vshrl.u32 v27, $0x6  }
0x120: {  	v27 =	vmul.u32 $0xC8, v27  }
0x121: {  	v25 =	vmul.u32 $0xC8, v25  }
0x122: {  	v26 =	vsub.s32 v26, v27  }
0x123: {  	v25 =	vadd.s32 v26, v25  }
0x124: {  	s6 =	sadd.s32 $0x100, s0;
	[tilespmem:s0+$0x170] =	vst v25  }
0x125: {  	[tilespmem:s19], [sflag:$0x3] =	stream.indirect.gather [hbm4b:s3+s15], $0x80, s6, s15, $0xb8;
	[tilespmem:$0x16400] =	vst v63  }
0x126: {  	_ =	swait.ge [sflag:s30], $0x4000  }
0x127: {  	[sflag:s30] =	ssyncset.done $0x0  }
0x128: {  	s6 =	sadd.s32 $0xFFFFFF90, s1;
	[sflag:s30] =	ssyncadd.s32 $0xFFFFC000  }
0x129: {  	v26 =	vor.u32 s6, v0;
	v25 =	vld [tilespmem:s0+$0x180]  }
0x12a: {  	v27 =	vmulhi.u32 $0x51EB851F, v26;
	_ =	sdelay $0x1  }
0x12b: {  	v27 =	vshrl.u32 v27, $0x6  }
0x12c: {  	v27 =	vmul.u32 $0xC8, v27  }
0x12d: {  	v25 =	vmul.u32 $0xC8, v25  }
0x12e: {  	v26 =	vsub.s32 v26, v27  }
0x12f: {  	s6 =	sadd.s32 $0xFFFFFFA0, s1;
	v25 =	vadd.s32 v26, v25  }
0x130: {  	v26 =	vor.u32 s6, v0;
	[tilespmem:s0+$0x180] =	vst v25;
	v25 =	vld [tilespmem:s0+$0x190]  }
0x131: {  	v27 =	vmulhi.u32 $0x51EB851F, v26;
	_ =	sdelay $0x1  }
0x132: {  	v27 =	vshrl.u32 v27, $0x6  }
0x133: {  	v27 =	vmul.u32 $0xC8, v27  }
0x134: {  	v25 =	vmul.u32 $0xC8, v25  }
0x135: {  	v26 =	vsub.s32 v26, v27  }
0x136: {  	s6 =	sadd.s32 $0xFFFFFFB0, s1;
	v25 =	vadd.s32 v26, v25  }
0x137: {  	v26 =	vor.u32 s6, v0;
	[tilespmem:s0+$0x190] =	vst v25;
	v25 =	vld [tilespmem:s0+$0x1A0]  }
0x138: {  	v27 =	vmulhi.u32 $0x51EB851F, v26;
	_ =	sdelay $0x1  }
0x139: {  	v27 =	vshrl.u32 v27, $0x6  }
0x13a: {  	v27 =	vmul.u32 $0xC8, v27  }
0x13b: {  	v25 =	vmul.u32 $0xC8, v25  }
0x13c: {  	v26 =	vsub.s32 v26, v27  }
0x13d: {  	s6 =	sadd.s32 $0xFFFFFFC0, s1;
	v25 =	vadd.s32 v26, v25  }
0x13e: {  	v26 =	vor.u32 s6, v0;
	[tilespmem:s0+$0x1A0] =	vst v25;
	v25 =	vld [tilespmem:s0+$0x1B0]  }
0x13f: {  	v27 =	vmulhi.u32 $0x51EB851F, v26;
	_ =	sdelay $0x1  }
0x140: {  	v27 =	vshrl.u32 v27, $0x6  }
0x141: {  	v27 =	vmul.u32 $0xC8, v27  }
0x142: {  	v25 =	vmul.u32 $0xC8, v25  }
0x143: {  	v26 =	vsub.s32 v26, v27  }
0x144: {  	s6 =	sadd.s32 $0xFFFFFFD0, s1;
	v25 =	vadd.s32 v26, v25  }
0x145: {  	v26 =	vor.u32 s6, v0;
	[tilespmem:s0+$0x1B0] =	vst v25;
	v25 =	vld [tilespmem:s0+$0x1C0]  }
0x146: {  	v27 =	vmulhi.u32 $0x51EB851F, v26;
	_ =	sdelay $0x1  }
0x147: {  	v27 =	vshrl.u32 v27, $0x6  }
0x148: {  	v27 =	vmul.u32 $0xC8, v27  }
0x149: {  	v25 =	vmul.u32 $0xC8, v25  }
0x14a: {  	v26 =	vsub.s32 v26, v27  }
0x14b: {  	s6 =	sadd.s32 $0xFFFFFFE0, s1;
	v25 =	vadd.s32 v26, v25  }
0x14c: {  	v26 =	vor.u32 s6, v0;
	[tilespmem:s0+$0x1C0] =	vst v25;
	v25 =	vld [tilespmem:s0+$0x1D0]  }
0x14d: {  	v27 =	vmulhi.u32 $0x51EB851F, v26;
	_ =	sdelay $0x1  }
0x14e: {  	v27 =	vshrl.u32 v27, $0x6  }
0x14f: {  	v27 =	vmul.u32 $0xC8, v27  }
0x150: {  	v25 =	vmul.u32 $0xC8, v25  }
0x151: {  	v26 =	vsub.s32 v26, v27  }
0x152: {  	s6 =	sadd.s32 $0xFFFFFFF0, s1;
	v25 =	vadd.s32 v26, v25  }
0x153: {  	v26 =	vor.u32 s6, v0;
	[tilespmem:s0+$0x1D0] =	vst v25;
	v25 =	vld [tilespmem:s0+$0x1E0]  }
0x154: {  	v27 =	vmulhi.u32 $0x51EB851F, v26;
	_ =	sdelay $0x1  }
0x155: {  	v27 =	vshrl.u32 v27, $0x6  }
0x156: {  	v27 =	vmul.u32 $0xC8, v27  }
0x157: {  	v25 =	vmul.u32 $0xC8, v25  }
0x158: {  	v26 =	vsub.s32 v26, v27  }
0x159: {  	v25 =	vadd.s32 v26, v25  }
0x15a: {  	v26 =	vor.u32 s1, v0;
	[tilespmem:s0+$0x1E0] =	vst v25;
	v25 =	vld [tilespmem:s0+$0x1F0]  }
0x15b: {  	v27 =	vmulhi.u32 $0x51EB851F, v26;
	_ =	sdelay $0x1  }
0x15c: {  	v27 =	vshrl.u32 v27, $0x6  }
0x15d: {  	p0 =	sne.s32 s1, $0x63F0;
	v27 =	vmul.u32 $0xC8, v27  }
.Ltmp0:
0x15e: {  	v25 =	vmul.u32 $0xC8, v25;
	(pc) =	sbr.rel @p0 .LBB2_2-.Ltmp0, $4  }
0x15f: {  	s13 =	sadd.s32 $0x2000, s13;
	v26 =	vsub.s32 v26, v27  }
0x160: {  	s12 =	sadd.s32 $0x2000, s12;
	s11 =	sadd.s32 $0x2000, s11;
	s10 =	sadd.s32 $0x2000, s10;
	v25 =	vadd.s32 v26, v25  }
0x161: {  	s6 =	sadd.s32 $0x180, s0;
	s1 =	sadd.s32 $0x200, s1;
	[tilespmem:s0+$0x1F0] =	vst v25;
	s0 =	sadd.s32 $0x200, s0  }
0x162: {  	[tilespmem:s21], [sflag:$0x4] =	stream.indirect.gather [hbm4b:s3+s15], $0x80, s6, s15, $0xb8;
	[tilespmem:$0x16400] =	vst v63  }
0x163: {  	_ =	swait.ge [sflag:s22], $0x4000  }
0x164: {  	[sflag:s22] =	ssyncset.done $0x0  }
0x165: {  	s0 =	rddreg [dreg:$0x4];
	[sflag:s22] =	ssyncadd.s32 $0xFFFFC000  }
0x166: {  	[hbm4b:s0+s2] =	stream.linear.scatter [tilespmem:s16], [sflag:$0x5], $0x4000, $0x38;
	[tilespmem:$0x16400] =	vst v63  }
0x167: {  	_ =	swait.ge [sflag:s23], $0x4000  }
0x168: {  	[sflag:s23] =	ssyncset.done $0x0  }
0x169: {  	s13 =	rddreg [dreg:$0x5];
	[sflag:s23] =	ssyncadd.s32 $0xFFFFC000  }
0x16a: {  	[hbm4b:s13+s2] =	stream.linear.scatter [tilespmem:s17], [sflag:$0x6], $0x4000, $0x38;
	[tilespmem:$0x16400] =	vst v63  }
0x16b: {  	_ =	swait.ge [sflag:s24], $0x4000  }
0x16c: {  	[sflag:s24] =	ssyncset.done $0x0  }
0x16d: {  	[sflag:s24] =	ssyncadd.s32 $0xFFFFC000  }
0x16e: {  	[hbm4b:s7+s2] =	stream.linear.scatter [tilespmem:s19], [sflag:$0x7], $0x4000, $0x38;
	[tilespmem:$0x16400] =	vst v63  }
0x16f: {  	_ =	swait.ge [sflag:s25], $0x4000  }
0x170: {  	[sflag:s25] =	ssyncset.done $0x0  }
0x171: {  	[sflag:s25] =	ssyncadd.s32 $0xFFFFC000  }
0x172: {  	[hbm4b:s8+s2] =	stream.linear.scatter [tilespmem:s21], [sflag:$0x8], $0x4000, $0x38;
	[tilespmem:$0x16400] =	vst v63  }
0x173: {  	_ =	swait.ge [sflag:s26], $0x4000  }
0x174: {  	[sflag:s26] =	ssyncset.done $0x0  }
0x175: {  	[sflag:s26] =	ssyncadd.s32 $0xFFFFC000  }
0x176: {  	_ =	swait.ge [sflag:s28], $0x4000  }
0x177: {  	[sflag:s28] =	ssyncset.done $0x0  }
0x178: {  	s31 =	sadd.s32 $0x1, s31;
	[sflag:s28] =	ssyncadd.s32 $0xFFFFC000  }
0x179: {  	p0 =	sne.s32 s31, s9;
	_ =	swait.ge [sflag:s29], $0x4000  }
.Ltmp1:
0x17a: {  	[sflag:s29] =	ssyncset.done $0x0;
	(pc) =	sbr.rel @p0 .LBB2_1-.Ltmp1, $4  }
0x17b: {  	[sflag:s29] =	ssyncadd.s32 $0xFFFFC000  }
0x17c: {  	_ =	swait.ge [sflag:s30], $0x4000  }
0x17d: {  	[sflag:s30] =	ssyncset.done $0x0  }
0x17e: {  	[sflag:s30] =	ssyncadd.s32 $0xFFFFC000  }
0x17f: {  	_ =	sfence.sel $0x180000  }
0x180: {  	[bflag:$0x0] =	sbarrier.arrive $0xFFFF  }
0x181: {  	_ =	strace $0x90000047  }
0x182: {  	s0 =	stileid.u32;
	[bflag:$0x2] =	sbarrier.arrive $0xFFFF  }
0x183: {  	p0 =	sne.s32 s0, $0x0;
	s0 =	rddreg [dreg:$0x2]  }
0x184: {  	s0 =	sadd.s32 @!p0 $0x100000, s0  }
0x185: {  	[sflag:s0] =	ssyncadd.tile.s32 @!p0 $0x1;
	_ =	shalt  }
.Lfunc_end2:
_tile_overlayer_lowered:
.L_overlay_start_2:
0x186: {  	(tag) =	ssettag $0x2  }
0x187: {  	s0 =	rddreg [dreg:$0x0];
	s2 =	stileid.u32  }
0x188: {  	s1 =	rddreg [dreg:$0x1];
	p0 =	sne.s32 s2, $0x0  }
0x189: {  	s3 =	rddreg [dreg:$0x2];
	[bflag:$0x3] =	sbarrier.arrive $0xFFFF;
	s2 =	simm.s32 @!p0 $0x1C09  }
0x18a: {  	[timem:s3], [sflag:s2] =	dma.local @!p0 [hbm:s0], s1  }
0x18b: {  	s0 =	simm.s32 @!p0 $0x9  }
0x18c: {  	_ =	swait.ge @!p0 [sflag:s0], s1  }
0x18d: {  	s1 =	ssub.s32 @!p0 $0x0, s1;
	[sflag:s0] =	ssyncset.done @!p0 $0x0  }
0x18e: {  	[sflag:s0] =	ssyncadd.s32 @!p0 s1  }
0x18f: {  	[bflag:$0x3] =	sbarrier.arrive $0xFFFF  }
0x190: {  	_ =	shalt  }

</sc_bundles>
